<compile_context>
chip_gen: v7x
topology: tpu7x:2x2x1
jax: 0.10.2.dev20260603
libtpu: 0.0.44.dev20260713+nightly
codegen_flags: <defaults>
</compile_context>

<pallas_src>
import functools
import math

import jax
import jax.numpy as jnp
from jax import lax
from jax.experimental import pallas as pl
from jax.experimental.pallas import tpu as pltpu
from jax.experimental.pallas import tpu_sc as plsc

VOCAB = 100000
D = 64
BATCH = 4096
SEQ = 20
B = BATCH * SEQ

NUM_CORES = 2
NUM_SUBCORES = 16
LANES = 16
TPERX = 128
TOK_PER_TILE = B // NUM_SUBCORES
SEQ_PER_TILE = BATCH // NUM_SUBCORES
D_PER_SC = D // NUM_CORES
D_PASSES = D_PER_SC // NUM_SUBCORES
GRP = 16


def _positional_encodings():
    position = jnp.arange(SEQ, dtype=jnp.float32)[:, None]
    div_term = jnp.exp(
        jnp.arange(0, D, 2, dtype=jnp.float32) * -(math.log(10000.0) / D)
    )
    wpe = jnp.zeros((SEQ, D), dtype=jnp.float32)
    wpe = wpe.at[:, 0::2].set(jnp.sin(position * div_term))
    wpe = wpe.at[:, 1::2].set(jnp.cos(position * div_term))
    return wpe


def _sc_kernel(ids_hbm, remap_hbm, table_hbm, wpe_hbm, out_hbm,
               row_v, ibuf, rbuf, ids0, ids1, obuf0, obuf1, wpe_v,
               dids_sh, rsem, ids_sem, osem0, osem1, gsem, tsem0):
    cid = lax.axis_index("c")
    sid = lax.axis_index("s")

    tok0 = sid * TOK_PER_TILE
    half = TOK_PER_TILE // 2

    with jax.named_scope("ph1_remap0"):
        icp0 = pltpu.async_copy(ids_hbm.at[pl.ds(tok0, half)], ibuf, tsem0)
        icp1 = pltpu.async_copy(ids_hbm.at[pl.ds(tok0 + half, half)],
                                ids0.at[pl.ds(0, half)], ids_sem)
        icp0.wait()
        cp0 = pltpu.async_copy(remap_hbm.at[ibuf], rbuf.at[pl.ds(0, half)], gsem)
        cp0.wait()
        d0 = cid * D_PER_SC + sid
        pltpu.async_copy(table_hbm.at[d0], row_v, rsem)
    with jax.named_scope("ph1_rest"):
        icp1.wait()
        cp1 = pltpu.async_copy(remap_hbm.at[ids0.at[pl.ds(0, half)]],
                               rbuf.at[pl.ds(half, half)], gsem)
        tcp = pltpu.async_copy(rbuf.at[pl.ds(0, half)],
                               dids_sh.at[pl.ds(tok0, half)], tsem0)
        cp1.wait()
        pltpu.sync_copy(rbuf.at[pl.ds(half, half)],
                        dids_sh.at[pl.ds(tok0 + half, half)])
        tcp.wait()
    with jax.named_scope("ph1_barrier"):
        plsc.subcore_barrier()

    def one_pass(p, _):
        d = cid * D_PER_SC + sid + NUM_SUBCORES * p
        with jax.named_scope("row_wait"):
            pltpu.make_async_copy(table_hbm.at[d], row_v, rsem).wait()
        pltpu.sync_copy(wpe_hbm.at[pl.ds(d * SEQ * LANES, SEQ * LANES)], wpe_v)
        pltpu.async_copy(dids_sh.at[pl.ds(0, BATCH)], ids0, ids_sem)

        def body(s, ids_cur, ids_nxt, obuf, osem):
            pltpu.make_async_copy(dids_sh.at[pl.ds(s * BATCH, BATCH)],
                                  ids_cur, ids_sem).wait()

            @pl.when(s + 1 < SEQ)
            def _():
                pltpu.async_copy(dids_sh.at[pl.ds((s + 1) * BATCH, BATCH)],
                                 ids_nxt, ids_sem)

            @pl.when(s >= 2)
            def _():
                pltpu.make_async_copy(obuf, out_hbm.at[s - 2, d], osem).wait()

            w = wpe_v[pl.ds(s * LANES, LANES)]

            def loads(g):
                base = g * (GRP * LANES)
                return [plsc.load_gather(
                            row_v, [ids_cur[pl.ds(base + j * LANES, LANES)]]) + w
                        for j in range(GRP)]

            ngrp = BATCH // LANES // GRP

            def grp_step(g, vals):
                nxt = loads(g)
                base = (g - 1) * (GRP * LANES)
                for j in range(GRP):
                    obuf[pl.ds(base + j * LANES, LANES)] = vals[j]
                return tuple(nxt)

            vals = lax.fori_loop(1, ngrp, grp_step, tuple(loads(0)))
            for j in range(GRP):
                obuf[pl.ds((ngrp - 1) * (GRP * LANES) + j * LANES, LANES)] = vals[j]
            pltpu.async_copy(obuf, out_hbm.at[s, d], osem)

        def seq_step(s, _):
            @pl.when(s % 2 == 0)
            def _():
                body(s, ids0, ids1, obuf0, osem0)

            @pl.when(s % 2 == 1)
            def _():
                body(s, ids1, ids0, obuf1, osem1)
            return 0

        with jax.named_scope("sloop"):
            lax.fori_loop(0, SEQ, seq_step, 0)

        @pl.when(p + 1 < D_PASSES)
        def _():
            pltpu.async_copy(table_hbm.at[d + NUM_SUBCORES], row_v, rsem)

        pltpu.make_async_copy(obuf0, out_hbm.at[SEQ - 2, d], osem0).wait()
        pltpu.make_async_copy(obuf1, out_hbm.at[SEQ - 1, d], osem1).wait()
        return 0

    lax.fori_loop(0, D_PASSES, one_pass, 0)


@jax.jit
def _run(ids_flat, remap, table_t, wpe_dmaj):
    mesh = plsc.VectorSubcoreMesh(core_axis_name="c", subcore_axis_name="s")
    call = functools.partial(
        pl.kernel,
        mesh=mesh,
        out_type=jax.ShapeDtypeStruct((SEQ, D, BATCH), jnp.float32),
        scratch_types=[
            pltpu.VMEM((VOCAB,), jnp.float32),
            pltpu.VMEM((TOK_PER_TILE // 2,), jnp.int32),
            pltpu.VMEM((TOK_PER_TILE,), jnp.int32),
            pltpu.VMEM((BATCH,), jnp.int32),
            pltpu.VMEM((BATCH,), jnp.int32),
            pltpu.VMEM((BATCH,), jnp.float32),
            pltpu.VMEM((BATCH,), jnp.float32),
            pltpu.VMEM((SEQ * LANES,), jnp.float32),
            pltpu.VMEM_SHARED((B,), jnp.int32),
            pltpu.SemaphoreType.DMA,
            pltpu.SemaphoreType.DMA,
            pltpu.SemaphoreType.DMA,
            pltpu.SemaphoreType.DMA,
            pltpu.SemaphoreType.DMA,
            pltpu.SemaphoreType.DMA,
        ],
        compiler_params=pltpu.CompilerParams(use_tc_tiling_on_sc=True,
                                             needs_layout_passes=False),
    )(_sc_kernel)
    return call(ids_flat, remap, table_t, wpe_dmaj)


def kernel(input_ids, embedding_dict, input_ids2dict_ids):
    ids_flat = input_ids.T.reshape(-1).astype(jnp.int32)
    remap = input_ids2dict_ids.astype(jnp.int32)
    table_t = embedding_dict.T
    wpe = _positional_encodings()
    wpe_dmaj = jnp.broadcast_to(wpe.T.reshape(D, SEQ, 1), (D, SEQ, LANES)).reshape(-1)
    out_t = _run(ids_flat, remap, table_t, wpe_dmaj)
    return out_t.transpose(2, 0, 1)

# --- scband reference (transcript-rebuilt; emitter-appended) ---
"""Pipeline reference for scband-random-embedding-encoder-w-pos-emb-82119774699563 (READ-ONLY COPY).

The authoritative reference and input builder live on the scoring server;
editing this copy changes nothing except your own understanding.
"""

import jax, jax.numpy as jnp
import numpy as np

VOCAB = 100000
EMBED_DIM = 64
BATCH = 4096
SEQ_LEN = 20
MAX_SEQ_LEN = 20
WPE_SCALE = 1.0


def get_positional_encodings(seq_len, d_model):
    position = jnp.arange(seq_len, dtype=jnp.float32)[:, None]
    div_term = jnp.exp(jnp.arange(0, d_model, 2, dtype=jnp.float32) * -(jnp.log(jnp.asarray(10000.0)) / d_model))
    wpe = jnp.zeros((seq_len, d_model), dtype=jnp.float32)
    wpe = wpe.at[:, 0::2].set(jnp.sin(position * div_term))
    wpe = wpe.at[:, 1::2].set(jnp.cos(position * div_term))
    return wpe


def setup_inputs(seed: int = 0) -> dict:
    key = jax.random.key(seed)
    k1, k2, k3 = jax.random.split(key, 3)
    input_ids = jax.random.randint(k1, (BATCH, SEQ_LEN), 0, VOCAB, dtype=jnp.int64 if jax.config.jax_enable_x64 else jnp.int32)
    embedding_dict = jax.random.normal(k2, (VOCAB, EMBED_DIM), dtype=jnp.float32)
    input_ids2dict_ids = jax.random.randint(k3, (VOCAB,), 0, VOCAB, dtype=jnp.int64 if jax.config.jax_enable_x64 else jnp.int32)
    return {"input_ids": input_ids, "embedding_dict": embedding_dict, "input_ids2dict_ids": input_ids2dict_ids}


def reference(input_ids, embedding_dict, input_ids2dict_ids):
    # remap raw input ids -> dictionary ids (gather), then embedding lookup (gather)
    indices = jnp.take(input_ids2dict_ids, input_ids.reshape(-1), axis=0).reshape(input_ids.shape)
    embeddings = jnp.take(embedding_dict, indices, axis=0)
    wpe = get_positional_encodings(MAX_SEQ_LEN, EMBED_DIM) * WPE_SCALE
    embeddings = embeddings + wpe[: embeddings.shape[1], :]
    return embeddings

if __name__ == "__main__":
    import jax
    _d = setup_inputs()
    print(jax.jit(kernel)(*tuple(_d.values())))

</pallas_src>

<mosaic_0001>
#map = affine_map<(d0, d1) -> (0)>
#map1 = affine_map<(d0, d1) -> (0, 0)>
#map2 = affine_map<(d0, d1) -> (0, 0, 0)>
module attributes {stable_mosaic.version = 14 : i64} {
  func.func @_sc_kernel(%arg0: i32, %arg1: i32, %arg2: memref<81920xi32, #tpu.memory_space<hbm>>, %arg3: memref<100000xi32, #tpu.memory_space<hbm>>, %arg4: memref<64x100000xf32, #tpu.memory_space<hbm>>, %arg5: memref<20480xf32, #tpu.memory_space<hbm>>, %arg6: memref<20x64x4096xf32, #tpu.memory_space<hbm>>, %arg7: memref<100000xf32, #tpu.memory_space<vmem>>, %arg8: memref<2560xi32, #tpu.memory_space<vmem>>, %arg9: memref<5120xi32, #tpu.memory_space<vmem>>, %arg10: memref<4096xi32, #tpu.memory_space<vmem>>, %arg11: memref<4096xi32, #tpu.memory_space<vmem>>, %arg12: memref<4096xf32, #tpu.memory_space<vmem>>, %arg13: memref<4096xf32, #tpu.memory_space<vmem>>, %arg14: memref<320xf32, #tpu.memory_space<vmem>>, %arg15: memref<81920xi32, #tpu.memory_space<vmem_shared>>, %arg16: memref<!tpu.dma_semaphore, #tpu.memory_space<semaphore_mem>>, %arg17: memref<!tpu.dma_semaphore, #tpu.memory_space<semaphore_mem>>, %arg18: memref<!tpu.dma_semaphore, #tpu.memory_space<semaphore_mem>>, %arg19: memref<!tpu.dma_semaphore, #tpu.memory_space<semaphore_mem>>, %arg20: memref<!tpu.dma_semaphore, #tpu.memory_space<semaphore_mem>>, %arg21: memref<!tpu.dma_semaphore, #tpu.memory_space<semaphore_mem>>) attributes {dimension_semantics = [#tpu.dimension_semantics<core_parallel>, #tpu.dimension_semantics<subcore_parallel>], iteration_bounds = array<i64: 2, 16>, scalar_prefetch = 0 : i64, scratch_operands = 15 : i64, tpu.core_type = #tpu.core_type<sc_vector_subcore>, window_params = [{transform_indices = #map}, {transform_indices = #map}, {transform_indices = #map1}, {transform_indices = #map}, {transform_indices = #map2}]} {
    %mul3A = arith.constant 5120 : i32
    %mul3A_0 = arith.muli %arg1, %mul3A : i32
    "tpu.trace_start"() <{level = 10 : i32, message = "ph1_remap0"}> : () -> ()
    %dma_start3A = tpu.memref_slice %arg2[%mul3A_0] : memref<81920xi32, #tpu.memory_space<hbm>> -> memref<2560xi32, #tpu.memory_space<hbm>>
    %dma_start3A_1 = tpu.memref_slice %arg2[%mul3A_0] : memref<81920xi32, #tpu.memory_space<hbm>> -> memref<2560xi32, #tpu.memory_space<hbm>>
    tpu.enqueue_dma source(%dma_start3A_1 : memref<2560xi32, #tpu.memory_space<hbm>>) target(%arg8 : memref<2560xi32, #tpu.memory_space<vmem>>) target_semaphore(%arg21 : memref<!tpu.dma_semaphore, #tpu.memory_space<semaphore_mem>>)
    %add3A = arith.constant 2560 : i32
    %add3A_2 = arith.addi %mul3A_0, %add3A : i32
    %dma_start3A_3 = arith.constant 0 : i32
    %dma_start3A_4 = tpu.memref_slice %arg10[%dma_start3A_3] : memref<4096xi32, #tpu.memory_space<vmem>> -> memref<2560xi32, #tpu.memory_space<vmem>>
    %dma_start3A_5 = tpu.memref_slice %arg2[%add3A_2] : memref<81920xi32, #tpu.memory_space<hbm>> -> memref<2560xi32, #tpu.memory_space<hbm>>
    %dma_start3A_6 = arith.constant 0 : i32
    %dma_start3A_7 = tpu.memref_slice %arg10[%dma_start3A_6] : memref<4096xi32, #tpu.memory_space<vmem>> -> memref<2560xi32, #tpu.memory_space<vmem>>
    %dma_start3A_8 = tpu.memref_slice %arg2[%add3A_2] : memref<81920xi32, #tpu.memory_space<hbm>> -> memref<2560xi32, #tpu.memory_space<hbm>>
    tpu.enqueue_dma source(%dma_start3A_8 : memref<2560xi32, #tpu.memory_space<hbm>>) target(%dma_start3A_7 : memref<2560xi32, #tpu.memory_space<vmem>>) target_semaphore(%arg17 : memref<!tpu.dma_semaphore, #tpu.memory_space<semaphore_mem>>)
    %dma_wait3A = tpu.memref_slice %arg2[%mul3A_0] : memref<81920xi32, #tpu.memory_space<hbm>> -> memref<2560xi32, #tpu.memory_space<hbm>>
    %dma_wait3A_9 = tpu.memref_slice %arg2[%mul3A_0] : memref<81920xi32, #tpu.memory_space<hbm>> -> memref<2560xi32, #tpu.memory_space<hbm>>
    tpu.wait_dma2 semaphore(%arg21 : memref<!tpu.dma_semaphore, #tpu.memory_space<semaphore_mem>>) src(%dma_wait3A_9 : memref<2560xi32, #tpu.memory_space<hbm>>) dst(%arg8 : memref<2560xi32, #tpu.memory_space<vmem>>)
    %dma_start3A_10 = arith.constant 0 : i32
    %dma_start3A_11 = tpu.memref_slice %arg9[%dma_start3A_10] : memref<5120xi32, #tpu.memory_space<vmem>> -> memref<2560xi32, #tpu.memory_space<vmem>>
    %dma_start3A_12 = arith.constant 0 : i32
    %dma_start3A_13 = tpu.memref_slice %arg3[%dma_start3A_12] : memref<100000xi32, #tpu.memory_space<hbm>> -> memref<100000xi32, #tpu.memory_space<hbm>>
    tpu.enqueue_indirect_dma source(%dma_start3A_13 : memref<100000xi32, #tpu.memory_space<hbm>>) target(%dma_start3A_11 : memref<2560xi32, #tpu.memory_space<vmem>>) offsets(%arg8 : memref<2560xi32, #tpu.memory_space<vmem>>) semaphore(%arg20 : memref<!tpu.dma_semaphore, #tpu.memory_space<semaphore_mem>>)
    %dma_wait3A_14 = arith.constant 0 : i32
    %dma_wait3A_15 = tpu.memref_slice %arg9[%dma_wait3A_14] : memref<5120xi32, #tpu.memory_space<vmem>> -> memref<2560xi32, #tpu.memory_space<vmem>>
    %dma_wait3A_16 = arith.constant 0 : i32
    %dma_wait3A_17 = tpu.memref_slice %arg3[%dma_wait3A_16] : memref<100000xi32, #tpu.memory_space<hbm>> -> memref<100000xi32, #tpu.memory_space<hbm>>
    tpu.wait_indirect_dma semaphore(%arg20 : memref<!tpu.dma_semaphore, #tpu.memory_space<semaphore_mem>>) src(%dma_wait3A_17 : memref<100000xi32, #tpu.memory_space<hbm>>) dst(%dma_wait3A_15 : memref<2560xi32, #tpu.memory_space<vmem>>)
    %mul3A_18 = arith.constant 32 : i32
    %mul3A_19 = arith.muli %arg0, %mul3A_18 : i32
    %add3A_20 = arith.addi %mul3A_19, %arg1 : i32
    %dma_start3A_21 = arith.constant 0 : i32
    %dma_start3A_22 = tpu.memref_slice %arg4[%add3A_20, %dma_start3A_21] : memref<64x100000xf32, #tpu.memory_space<hbm>> -> memref<1x100000xf32, #tpu.memory_space<hbm>>
    %dma_start3A_23 = tpu.memref_squeeze %dma_start3A_22 : memref<1x100000xf32, #tpu.memory_space<hbm>> -> memref<100000xf32, #tpu.memory_space<hbm>>
    %dma_start3A_24 = arith.constant 0 : i32
    %dma_start3A_25 = tpu.memref_slice %arg4[%add3A_20, %dma_start3A_24] : memref<64x100000xf32, #tpu.memory_space<hbm>> -> memref<1x100000xf32, #tpu.memory_space<hbm>>
    %dma_start3A_26 = tpu.memref_squeeze %dma_start3A_25 : memref<1x100000xf32, #tpu.memory_space<hbm>> -> memref<100000xf32, #tpu.memory_space<hbm>>
    tpu.enqueue_dma source(%dma_start3A_26 : memref<100000xf32, #tpu.memory_space<hbm>>) target(%arg7 : memref<100000xf32, #tpu.memory_space<vmem>>) target_semaphore(%arg16 : memref<!tpu.dma_semaphore, #tpu.memory_space<semaphore_mem>>)
    "tpu.trace_stop"() : () -> ()
    "tpu.trace_start"() <{level = 10 : i32, message = "ph1_rest"}> : () -> ()
    %dma_wait3A_27 = arith.constant 0 : i32
    %dma_wait3A_28 = tpu.memref_slice %arg10[%dma_wait3A_27] : memref<4096xi32, #tpu.memory_space<vmem>> -> memref<2560xi32, #tpu.memory_space<vmem>>
    %dma_wait3A_29 = tpu.memref_slice %arg2[%add3A_2] : memref<81920xi32, #tpu.memory_space<hbm>> -> memref<2560xi32, #tpu.memory_space<hbm>>
    %dma_wait3A_30 = arith.constant 0 : i32
    %dma_wait3A_31 = tpu.memref_slice %arg10[%dma_wait3A_30] : memref<4096xi32, #tpu.memory_space<vmem>> -> memref<2560xi32, #tpu.memory_space<vmem>>
    %dma_wait3A_32 = tpu.memref_slice %arg2[%add3A_2] : memref<81920xi32, #tpu.memory_space<hbm>> -> memref<2560xi32, #tpu.memory_space<hbm>>
    tpu.wait_dma2 semaphore(%arg17 : memref<!tpu.dma_semaphore, #tpu.memory_space<semaphore_mem>>) src(%dma_wait3A_32 : memref<2560xi32, #tpu.memory_space<hbm>>) dst(%dma_wait3A_31 : memref<2560xi32, #tpu.memory_space<vmem>>)
    %dma_start3A_33 = arith.constant 2560 : i32
    %dma_start3A_34 = tpu.memref_slice %arg9[%dma_start3A_33] : memref<5120xi32, #tpu.memory_space<vmem>> -> memref<2560xi32, #tpu.memory_space<vmem>>
    %dma_start3A_35 = arith.constant 0 : i32
    %dma_start3A_36 = tpu.memref_slice %arg10[%dma_start3A_35] : memref<4096xi32, #tpu.memory_space<vmem>> -> memref<2560xi32, #tpu.memory_space<vmem>>
    %dma_start3A_37 = arith.constant 0 : i32
    %dma_start3A_38 = tpu.memref_slice %arg3[%dma_start3A_37] : memref<100000xi32, #tpu.memory_space<hbm>> -> memref<100000xi32, #tpu.memory_space<hbm>>
    tpu.enqueue_indirect_dma source(%dma_start3A_38 : memref<100000xi32, #tpu.memory_space<hbm>>) target(%dma_start3A_34 : memref<2560xi32, #tpu.memory_space<vmem>>) offsets(%dma_start3A_36 : memref<2560xi32, #tpu.memory_space<vmem>>) semaphore(%arg20 : memref<!tpu.dma_semaphore, #tpu.memory_space<semaphore_mem>>)
    %dma_start3A_39 = arith.constant 0 : i32
    %dma_start3A_40 = tpu.memref_slice %arg9[%dma_start3A_39] : memref<5120xi32, #tpu.memory_space<vmem>> -> memref<2560xi32, #tpu.memory_space<vmem>>
    %dma_start3A_41 = tpu.memref_slice %arg15[%mul3A_0] : memref<81920xi32, #tpu.memory_space<vmem_shared>> -> memref<2560xi32, #tpu.memory_space<vmem_shared>>
    %dma_start3A_42 = tpu.memref_slice %arg15[%mul3A_0] : memref<81920xi32, #tpu.memory_space<vmem_shared>> -> memref<2560xi32, #tpu.memory_space<vmem_shared>>
    %dma_start3A_43 = arith.constant 0 : i32
    %dma_start3A_44 = tpu.memref_slice %arg9[%dma_start3A_43] : memref<5120xi32, #tpu.memory_space<vmem>> -> memref<2560xi32, #tpu.memory_space<vmem>>
    tpu.enqueue_dma source(%dma_start3A_44 : memref<2560xi32, #tpu.memory_space<vmem>>) target(%dma_start3A_42 : memref<2560xi32, #tpu.memory_space<vmem_shared>>) target_semaphore(%arg21 : memref<!tpu.dma_semaphore, #tpu.memory_space<semaphore_mem>>)
    %dma_wait3A_45 = arith.constant 2560 : i32
    %dma_wait3A_46 = tpu.memref_slice %arg9[%dma_wait3A_45] : memref<5120xi32, #tpu.memory_space<vmem>> -> memref<2560xi32, #tpu.memory_space<vmem>>
    %dma_wait3A_47 = arith.constant 0 : i32
    %dma_wait3A_48 = tpu.memref_slice %arg10[%dma_wait3A_47] : memref<4096xi32, #tpu.memory_space<vmem>> -> memref<2560xi32, #tpu.memory_space<vmem>>
    %dma_wait3A_49 = arith.constant 0 : i32
    %dma_wait3A_50 = tpu.memref_slice %arg3[%dma_wait3A_49] : memref<100000xi32, #tpu.memory_space<hbm>> -> memref<100000xi32, #tpu.memory_space<hbm>>
    tpu.wait_indirect_dma semaphore(%arg20 : memref<!tpu.dma_semaphore, #tpu.memory_space<semaphore_mem>>) src(%dma_wait3A_50 : memref<100000xi32, #tpu.memory_space<hbm>>) dst(%dma_wait3A_46 : memref<2560xi32, #tpu.memory_space<vmem>>)
    %add3A_51 = arith.constant 2560 : i32
    %add3A_52 = arith.addi %mul3A_0, %add3A_51 : i32
    "tpu.region"() ({
      %run_scoped3A = tpu.sem_alloc : memref<!tpu.dma_semaphore, #tpu.memory_space<semaphore_mem>>
      %dma_start3A_65 = arith.constant 2560 : i32
      %dma_start3A_66 = tpu.memref_slice %arg9[%dma_start3A_65] : memref<5120xi32, #tpu.memory_space<vmem>> -> memref<2560xi32, #tpu.memory_space<vmem>>
      %dma_start3A_67 = tpu.memref_slice %arg15[%add3A_52] : memref<81920xi32, #tpu.memory_space<vmem_shared>> -> memref<2560xi32, #tpu.memory_space<vmem_shared>>
      %dma_start3A_68 = tpu.memref_slice %arg15[%add3A_52] : memref<81920xi32, #tpu.memory_space<vmem_shared>> -> memref<2560xi32, #tpu.memory_space<vmem_shared>>
      %dma_start3A_69 = arith.constant 2560 : i32
      %dma_start3A_70 = tpu.memref_slice %arg9[%dma_start3A_69] : memref<5120xi32, #tpu.memory_space<vmem>> -> memref<2560xi32, #tpu.memory_space<vmem>>
      tpu.enqueue_dma source(%dma_start3A_70 : memref<2560xi32, #tpu.memory_space<vmem>>) target(%dma_start3A_68 : memref<2560xi32, #tpu.memory_space<vmem_shared>>) target_semaphore(%run_scoped3A : memref<!tpu.dma_semaphore, #tpu.memory_space<semaphore_mem>>)
      %dma_wait3A_71 = arith.constant 2560 : i32
      %dma_wait3A_72 = tpu.memref_slice %arg9[%dma_wait3A_71] : memref<5120xi32, #tpu.memory_space<vmem>> -> memref<2560xi32, #tpu.memory_space<vmem>>
      %dma_wait3A_73 = tpu.memref_slice %arg15[%add3A_52] : memref<81920xi32, #tpu.memory_space<vmem_shared>> -> memref<2560xi32, #tpu.memory_space<vmem_shared>>
      %dma_wait3A_74 = tpu.memref_slice %arg15[%add3A_52] : memref<81920xi32, #tpu.memory_space<vmem_shared>> -> memref<2560xi32, #tpu.memory_space<vmem_shared>>
      %dma_wait3A_75 = arith.constant 2560 : i32
      %dma_wait3A_76 = tpu.memref_slice %arg9[%dma_wait3A_75] : memref<5120xi32, #tpu.memory_space<vmem>> -> memref<2560xi32, #tpu.memory_space<vmem>>
      tpu.wait_dma2 semaphore(%run_scoped3A : memref<!tpu.dma_semaphore, #tpu.memory_space<semaphore_mem>>) src(%dma_wait3A_76 : memref<2560xi32, #tpu.memory_space<vmem>>) dst(%dma_wait3A_74 : memref<2560xi32, #tpu.memory_space<vmem_shared>>)
      tpu.yield
    }) : () -> ()
    %dma_wait3A_53 = arith.constant 0 : i32
    %dma_wait3A_54 = tpu.memref_slice %arg9[%dma_wait3A_53] : memref<5120xi32, #tpu.memory_space<vmem>> -> memref<2560xi32, #tpu.memory_space<vmem>>
    %dma_wait3A_55 = tpu.memref_slice %arg15[%mul3A_0] : memref<81920xi32, #tpu.memory_space<vmem_shared>> -> memref<2560xi32, #tpu.memory_space<vmem_shared>>
    %dma_wait3A_56 = tpu.memref_slice %arg15[%mul3A_0] : memref<81920xi32, #tpu.memory_space<vmem_shared>> -> memref<2560xi32, #tpu.memory_space<vmem_shared>>
    %dma_wait3A_57 = arith.constant 0 : i32
    %dma_wait3A_58 = tpu.memref_slice %arg9[%dma_wait3A_57] : memref<5120xi32, #tpu.memory_space<vmem>> -> memref<2560xi32, #tpu.memory_space<vmem>>
    tpu.wait_dma2 semaphore(%arg21 : memref<!tpu.dma_semaphore, #tpu.memory_space<semaphore_mem>>) src(%dma_wait3A_58 : memref<2560xi32, #tpu.memory_space<vmem>>) dst(%dma_wait3A_56 : memref<2560xi32, #tpu.memory_space<vmem_shared>>)
    "tpu.trace_stop"() : () -> ()
    "tpu.trace_start"() <{level = 10 : i32, message = "ph1_barrier"}> : () -> ()
    %barrier3A = arith.constant 0 : index
    tpu.barrier barrier_id(%barrier3A)
    "tpu.trace_stop"() : () -> ()
    %scan3A = arith.constant 0 : i32
    %scan3A_59 = arith.constant 0 : i32
    %scan3A_60 = arith.constant 2 : i32
    %scan3A_61 = arith.addi %scan3A_59, %scan3A_60 : i32
    %scan3A_62 = arith.constant 1 : i32
    %scan3A_63 = scf.for %scan3A_65 = %scan3A_59 to %scan3A_61 step %scan3A_62 iter_args(%scan3A_66 = %scan3A) -> (i32)  : i32 {
      %mul3A_67 = arith.constant 32 : i32
      %mul3A_68 = arith.muli %arg0, %mul3A_67 : i32
      %add3A_69 = arith.addi %mul3A_68, %arg1 : i32
      %mul3A_70 = arith.constant 16 : i32
      %mul3A_71 = arith.muli %mul3A_70, %scan3A_65 : i32
      %add3A_72 = arith.addi %add3A_69, %mul3A_71 : i32
      "tpu.trace_start"() <{level = 10 : i32, message = "row_wait"}> : () -> ()
      %dma_wait3A_73 = arith.constant 0 : i32
      %dma_wait3A_74 = tpu.memref_slice %arg4[%add3A_72, %dma_wait3A_73] : memref<64x100000xf32, #tpu.memory_space<hbm>> -> memref<1x100000xf32, #tpu.memory_space<hbm>>
      %dma_wait3A_75 = tpu.memref_squeeze %dma_wait3A_74 : memref<1x100000xf32, #tpu.memory_space<hbm>> -> memref<100000xf32, #tpu.memory_space<hbm>>
      %dma_wait3A_76 = arith.constant 0 : i32
      %dma_wait3A_77 = tpu.memref_slice %arg4[%add3A_72, %dma_wait3A_76] : memref<64x100000xf32, #tpu.memory_space<hbm>> -> memref<1x100000xf32, #tpu.memory_space<hbm>>
      %dma_wait3A_78 = tpu.memref_squeeze %dma_wait3A_77 : memref<1x100000xf32, #tpu.memory_space<hbm>> -> memref<100000xf32, #tpu.memory_space<hbm>>
      tpu.wait_dma2 semaphore(%arg16 : memref<!tpu.dma_semaphore, #tpu.memory_space<semaphore_mem>>) src(%dma_wait3A_78 : memref<100000xf32, #tpu.memory_space<hbm>>) dst(%arg7 : memref<100000xf32, #tpu.memory_space<vmem>>)
      "tpu.trace_stop"() : () -> ()
      %mul3A_79 = arith.constant 20 : i32
      %mul3A_80 = arith.muli %add3A_72, %mul3A_79 : i32
      %mul3A_81 = arith.constant 16 : i32
      %mul3A_82 = arith.muli %mul3A_80, %mul3A_81 : i32
      "tpu.region"() ({
        %run_scoped3A = tpu.sem_alloc : memref<!tpu.dma_semaphore, #tpu.memory_space<semaphore_mem>>
        %dma_start3A_113 = tpu.memref_slice %arg5[%mul3A_82] : memref<20480xf32, #tpu.memory_space<hbm>> -> memref<320xf32, #tpu.memory_space<hbm>>
        %dma_start3A_114 = tpu.memref_slice %arg5[%mul3A_82] : memref<20480xf32, #tpu.memory_space<hbm>> -> memref<320xf32, #tpu.memory_space<hbm>>
        tpu.enqueue_dma source(%dma_start3A_114 : memref<320xf32, #tpu.memory_space<hbm>>) target(%arg14 : memref<320xf32, #tpu.memory_space<vmem>>) target_semaphore(%run_scoped3A : memref<!tpu.dma_semaphore, #tpu.memory_space<semaphore_mem>>)
        %dma_wait3A_115 = tpu.memref_slice %arg5[%mul3A_82] : memref<20480xf32, #tpu.memory_space<hbm>> -> memref<320xf32, #tpu.memory_space<hbm>>
        %dma_wait3A_116 = tpu.memref_slice %arg5[%mul3A_82] : memref<20480xf32, #tpu.memory_space<hbm>> -> memref<320xf32, #tpu.memory_space<hbm>>
        tpu.wait_dma2 semaphore(%run_scoped3A : memref<!tpu.dma_semaphore, #tpu.memory_space<semaphore_mem>>) src(%dma_wait3A_116 : memref<320xf32, #tpu.memory_space<hbm>>) dst(%arg14 : memref<320xf32, #tpu.memory_space<vmem>>)
        tpu.yield
      }) : () -> ()
      %dma_start3A_83 = arith.constant 0 : i32
      %dma_start3A_84 = tpu.memref_slice %arg15[%dma_start3A_83] : memref<81920xi32, #tpu.memory_space<vmem_shared>> -> memref<4096xi32, #tpu.memory_space<vmem_shared>>
      %dma_start3A_85 = arith.constant 0 : i32
      %dma_start3A_86 = tpu.memref_slice %arg15[%dma_start3A_85] : memref<81920xi32, #tpu.memory_space<vmem_shared>> -> memref<4096xi32, #tpu.memory_space<vmem_shared>>
      tpu.enqueue_dma source(%dma_start3A_86 : memref<4096xi32, #tpu.memory_space<vmem_shared>>) target(%arg10 : memref<4096xi32, #tpu.memory_space<vmem>>) target_semaphore(%arg17 : memref<!tpu.dma_semaphore, #tpu.memory_space<semaphore_mem>>)
      "tpu.trace_start"() <{level = 10 : i32, message = "sloop"}> : () -> ()
      %scan3A_87 = arith.constant 0 : i32
      %scan3A_88 = arith.constant 0 : i32
      %scan3A_89 = arith.constant 20 : i32
      %scan3A_90 = arith.addi %scan3A_88, %scan3A_89 : i32
      %scan3A_91 = arith.constant 1 : i32
      %scan3A_92 = scf.for %scan3A_113 = %scan3A_88 to %scan3A_90 step %scan3A_91 iter_args(%scan3A_114 = %scan3A_87) -> (i32)  : i32 {
        %jit3A = arith.constant 2 : i32
        %eq3A = arith.constant 0 : i32
        %eq3A_115 = arith.cmpi eq, %jit3A, %eq3A : i32
        %jit3A_116 = arith.constant 1 : i32
        %select_n3A = arith.select %eq3A_115, %jit3A_116, %jit3A : i32
        %rem3A = arith.remsi %scan3A_113, %select_n3A : i32
        %ne3A = arith.constant 0 : i32
        %ne3A_117 = arith.cmpi ne, %rem3A, %ne3A : i32
        %lt3A_118 = arith.constant 0 : i32
        %lt3A_119 = arith.cmpi slt, %rem3A, %lt3A_118 : i32
        %lt3A_120 = arith.constant 0 : i32
        %lt3A_121 = arith.cmpi slt, %select_n3A, %lt3A_120 : i32
        %ne3A_122 = arith.xori %lt3A_119, %lt3A_121 : i1
        %and3A = arith.andi %ne3A_122, %ne3A_117 : i1
        %add3A_123 = arith.addi %rem3A, %select_n3A : i32
        %select_n3A_124 = arith.select %and3A, %add3A_123, %rem3A : i32
        %eq3A_125 = arith.constant 0 : i32
        %eq3A_126 = arith.cmpi eq, %select_n3A_124, %eq3A_125 : i32
        %convert_element_type3A_127 = arith.extui %eq3A_126 : i1 to i32
        %cond3A_128 = arith.constant 0 : i32
        %cond3A_129 = arith.cmpi ne, %convert_element_type3A_127, %cond3A_128 : i32
        scf.if %cond3A_129 {
          %mul3A_152 = arith.constant 4096 : i32
          %mul3A_153 = arith.muli %scan3A_113, %mul3A_152 : i32
          %dma_wait3A_154 = tpu.memref_slice %arg15[%mul3A_153] : memref<81920xi32, #tpu.memory_space<vmem_shared>> -> memref<4096xi32, #tpu.memory_space<vmem_shared>>
          %dma_wait3A_155 = tpu.memref_slice %arg15[%mul3A_153] : memref<81920xi32, #tpu.memory_space<vmem_shared>> -> memref<4096xi32, #tpu.memory_space<vmem_shared>>
          tpu.wait_dma2 semaphore(%arg17 : memref<!tpu.dma_semaphore, #tpu.memory_space<semaphore_mem>>) src(%dma_wait3A_155 : memref<4096xi32, #tpu.memory_space<vmem_shared>>) dst(%arg10 : memref<4096xi32, #tpu.memory_space<vmem>>)
          %add3A_156 = arith.constant 1 : i32
          %add3A_157 = arith.addi %scan3A_113, %add3A_156 : i32
          %lt3A_158 = arith.constant 20 : i32
          %lt3A_159 = arith.cmpi slt, %add3A_157, %lt3A_158 : i32
          %convert_element_type3A_160 = arith.extui %lt3A_159 : i1 to i32
          %cond3A_161 = arith.constant 0 : i32
          %cond3A_162 = arith.cmpi ne, %convert_element_type3A_160, %cond3A_161 : i32
          scf.if %cond3A_162 {
            %add3A_276 = arith.constant 1 : i32
            %add3A_277 = arith.addi %scan3A_113, %add3A_276 : i32
            %mul3A_278 = arith.constant 4096 : i32
            %mul3A_279 = arith.muli %add3A_277, %mul3A_278 : i32
            %dma_start3A_280 = tpu.memref_slice %arg15[%mul3A_279] : memref<81920xi32, #tpu.memory_space<vmem_shared>> -> memref<4096xi32, #tpu.memory_space<vmem_shared>>
            %dma_start3A_281 = tpu.memref_slice %arg15[%mul3A_279] : memref<81920xi32, #tpu.memory_space<vmem_shared>> -> memref<4096xi32, #tpu.memory_space<vmem_shared>>
            tpu.enqueue_dma source(%dma_start3A_281 : memref<4096xi32, #tpu.memory_space<vmem_shared>>) target(%arg11 : memref<4096xi32, #tpu.memory_space<vmem>>) target_semaphore(%arg17 : memref<!tpu.dma_semaphore, #tpu.memory_space<semaphore_mem>>)
          } else {
          }
          %ge3A = arith.constant 2 : i32
          %ge3A_163 = arith.cmpi sge, %scan3A_113, %ge3A : i32
          %convert_element_type3A_164 = arith.extui %ge3A_163 : i1 to i32
          %cond3A_165 = arith.constant 0 : i32
          %cond3A_166 = arith.cmpi ne, %convert_element_type3A_164, %cond3A_165 : i32
          scf.if %cond3A_166 {
            %sub3A = arith.constant 2 : i32
            %sub3A_276 = arith.subi %scan3A_113, %sub3A : i32
            %dma_wait3A_277 = arith.constant 0 : i32
            %dma_wait3A_278 = tpu.memref_slice %arg6[%sub3A_276, %add3A_72, %dma_wait3A_277] : memref<20x64x4096xf32, #tpu.memory_space<hbm>> -> memref<1x1x4096xf32, #tpu.memory_space<hbm>>
            %dma_wait3A_279 = tpu.memref_squeeze %dma_wait3A_278 : memref<1x1x4096xf32, #tpu.memory_space<hbm>> -> memref<4096xf32, #tpu.memory_space<hbm>>
            %dma_wait3A_280 = arith.constant 0 : i32
            %dma_wait3A_281 = tpu.memref_slice %arg6[%sub3A_276, %add3A_72, %dma_wait3A_280] : memref<20x64x4096xf32, #tpu.memory_space<hbm>> -> memref<1x1x4096xf32, #tpu.memory_space<hbm>>
            %dma_wait3A_282 = tpu.memref_squeeze %dma_wait3A_281 : memref<1x1x4096xf32, #tpu.memory_space<hbm>> -> memref<4096xf32, #tpu.memory_space<hbm>>
            tpu.wait_dma2 semaphore(%arg18 : memref<!tpu.dma_semaphore, #tpu.memory_space<semaphore_mem>>) src(%arg12 : memref<4096xf32, #tpu.memory_space<vmem>>) dst(%dma_wait3A_282 : memref<4096xf32, #tpu.memory_space<hbm>>)
          } else {
          }
          %mul3A_167 = arith.constant 16 : i32
          %mul3A_168 = arith.muli %scan3A_113, %mul3A_167 : i32
          %get3A = arith.index_cast %mul3A_168 : i32 to index
          %get3A_169 = tpu.vector_load %arg14[%get3A] {strides = array<i32>} : memref<320xf32, #tpu.memory_space<vmem>>, vector<16xf32>,
          %get3A_170 = arith.constant 0 : index
          %get3A_171 = tpu.vector_load %arg10[%get3A_170] {strides = array<i32>} : memref<4096xi32, #tpu.memory_space<vmem>>, vector<16xi32>,
          %gather3A = tpu.vector_load_idx %arg7[%get3A_171] : memref<100000xf32, #tpu.memory_space<vmem>>[vector<16xi32>], vector<16xf32>,
          %add3A_172 = arith.addf %gather3A, %get3A_169 : vector<16xf32>
          %get3A_173 = arith.constant 16 : index
          %get3A_174 = tpu.vector_load %arg10[%get3A_173] {strides = array<i32>} : memref<4096xi32, #tpu.memory_space<vmem>>, vector<16xi32>,
          %gather3A_175 = tpu.vector_load_idx %arg7[%get3A_174] : memref<100000xf32, #tpu.memory_space<vmem>>[vector<16xi32>], vector<16xf32>,
          %add3A_176 = arith.addf %gather3A_175, %get3A_169 : vector<16xf32>
          %get3A_177 = arith.constant 32 : index
          %get3A_178 = tpu.vector_load %arg10[%get3A_177] {strides = array<i32>} : memref<4096xi32, #tpu.memory_space<vmem>>, vector<16xi32>,
          %gather3A_179 = tpu.vector_load_idx %arg7[%get3A_178] : memref<100000xf32, #tpu.memory_space<vmem>>[vector<16xi32>], vector<16xf32>,
          %add3A_180 = arith.addf %gather3A_179, %get3A_169 : vector<16xf32>
          %get3A_181 = arith.constant 48 : index
          %get3A_182 = tpu.vector_load %arg10[%get3A_181] {strides = array<i32>} : memref<4096xi32, #tpu.memory_space<vmem>>, vector<16xi32>,
          %gather3A_183 = tpu.vector_load_idx %arg7[%get3A_182] : memref<100000xf32, #tpu.memory_space<vmem>>[vector<16xi32>], vector<16xf32>,
          %add3A_184 = arith.addf %gather3A_183, %get3A_169 : vector<16xf32>
          %get3A_185 = arith.constant 64 : index
          %get3A_186 = tpu.vector_load %arg10[%get3A_185] {strides = array<i32>} : memref<4096xi32, #tpu.memory_space<vmem>>, vector<16xi32>,
          %gather3A_187 = tpu.vector_load_idx %arg7[%get3A_186] : memref<100000xf32, #tpu.memory_space<vmem>>[vector<16xi32>], vector<16xf32>,
          %add3A_188 = arith.addf %gather3A_187, %get3A_169 : vector<16xf32>
          %get3A_189 = arith.constant 80 : index
          %get3A_190 = tpu.vector_load %arg10[%get3A_189] {strides = array<i32>} : memref<4096xi32, #tpu.memory_space<vmem>>, vector<16xi32>,
          %gather3A_191 = tpu.vector_load_idx %arg7[%get3A_190] : memref<100000xf32, #tpu.memory_space<vmem>>[vector<16xi32>], vector<16xf32>,
          %add3A_192 = arith.addf %gather3A_191, %get3A_169 : vector<16xf32>
          %get3A_193 = arith.constant 96 : index
          %get3A_194 = tpu.vector_load %arg10[%get3A_193] {strides = array<i32>} : memref<4096xi32, #tpu.memory_space<vmem>>, vector<16xi32>,
          %gather3A_195 = tpu.vector_load_idx %arg7[%get3A_194] : memref<100000xf32, #tpu.memory_space<vmem>>[vector<16xi32>], vector<16xf32>,
          %add3A_196 = arith.addf %gather3A_195, %get3A_169 : vector<16xf32>
          %get3A_197 = arith.constant 112 : index
          %get3A_198 = tpu.vector_load %arg10[%get3A_197] {strides = array<i32>} : memref<4096xi32, #tpu.memory_space<vmem>>, vector<16xi32>,
          %gather3A_199 = tpu.vector_load_idx %arg7[%get3A_198] : memref<100000xf32, #tpu.memory_space<vmem>>[vector<16xi32>], vector<16xf32>,
          %add3A_200 = arith.addf %gather3A_199, %get3A_169 : vector<16xf32>
          %get3A_201 = arith.constant 128 : index
          %get3A_202 = tpu.vector_load %arg10[%get3A_201] {strides = array<i32>} : memref<4096xi32, #tpu.memory_space<vmem>>, vector<16xi32>,
          %gather3A_203 = tpu.vector_load_idx %arg7[%get3A_202] : memref<100000xf32, #tpu.memory_space<vmem>>[vector<16xi32>], vector<16xf32>,
          %add3A_204 = arith.addf %gather3A_203, %get3A_169 : vector<16xf32>
          %get3A_205 = arith.constant 144 : index
          %get3A_206 = tpu.vector_load %arg10[%get3A_205] {strides = array<i32>} : memref<4096xi32, #tpu.memory_space<vmem>>, vector<16xi32>,
          %gather3A_207 = tpu.vector_load_idx %arg7[%get3A_206] : memref<100000xf32, #tpu.memory_space<vmem>>[vector<16xi32>], vector<16xf32>,
          %add3A_208 = arith.addf %gather3A_207, %get3A_169 : vector<16xf32>
          %get3A_209 = arith.constant 160 : index
          %get3A_210 = tpu.vector_load %arg10[%get3A_209] {strides = array<i32>} : memref<4096xi32, #tpu.memory_space<vmem>>, vector<16xi32>,
          %gather3A_211 = tpu.vector_load_idx %arg7[%get3A_210] : memref<100000xf32, #tpu.memory_space<vmem>>[vector<16xi32>], vector<16xf32>,
          %add3A_212 = arith.addf %gather3A_211, %get3A_169 : vector<16xf32>
          %get3A_213 = arith.constant 176 : index
          %get3A_214 = tpu.vector_load %arg10[%get3A_213] {strides = array<i32>} : memref<4096xi32, #tpu.memory_space<vmem>>, vector<16xi32>,
          %gather3A_215 = tpu.vector_load_idx %arg7[%get3A_214] : memref<100000xf32, #tpu.memory_space<vmem>>[vector<16xi32>], vector<16xf32>,
          %add3A_216 = arith.addf %gather3A_215, %get3A_169 : vector<16xf32>
          %get3A_217 = arith.constant 192 : index
          %get3A_218 = tpu.vector_load %arg10[%get3A_217] {strides = array<i32>} : memref<4096xi32, #tpu.memory_space<vmem>>, vector<16xi32>,
          %gather3A_219 = tpu.vector_load_idx %arg7[%get3A_218] : memref<100000xf32, #tpu.memory_space<vmem>>[vector<16xi32>], vector<16xf32>,
          %add3A_220 = arith.addf %gather3A_219, %get3A_169 : vector<16xf32>
          %get3A_221 = arith.constant 208 : index
          %get3A_222 = tpu.vector_load %arg10[%get3A_221] {strides = array<i32>} : memref<4096xi32, #tpu.memory_space<vmem>>, vector<16xi32>,
          %gather3A_223 = tpu.vector_load_idx %arg7[%get3A_222] : memref<100000xf32, #tpu.memory_space<vmem>>[vector<16xi32>], vector<16xf32>,
          %add3A_224 = arith.addf %gather3A_223, %get3A_169 : vector<16xf32>
          %get3A_225 = arith.constant 224 : index
          %get3A_226 = tpu.vector_load %arg10[%get3A_225] {strides = array<i32>} : memref<4096xi32, #tpu.memory_space<vmem>>, vector<16xi32>,
          %gather3A_227 = tpu.vector_load_idx %arg7[%get3A_226] : memref<100000xf32, #tpu.memory_space<vmem>>[vector<16xi32>], vector<16xf32>,
          %add3A_228 = arith.addf %gather3A_227, %get3A_169 : vector<16xf32>
          %get3A_229 = arith.constant 240 : index
          %get3A_230 = tpu.vector_load %arg10[%get3A_229] {strides = array<i32>} : memref<4096xi32, #tpu.memory_space<vmem>>, vector<16xi32>,
          %gather3A_231 = tpu.vector_load_idx %arg7[%get3A_230] : memref<100000xf32, #tpu.memory_space<vmem>>[vector<16xi32>], vector<16xf32>,
          %add3A_232 = arith.addf %gather3A_231, %get3A_169 : vector<16xf32>
          %scan3A_233 = arith.constant 1 : i32
          %scan3A_234 = arith.constant 15 : i32
          %scan3A_235 = arith.addi %scan3A_233, %scan3A_234 : i32
          %scan3A_236 = arith.constant 1 : i32
          %scan3A_237:16 = scf.for %scan3A_276 = %scan3A_233 to %scan3A_235 step %scan3A_236 iter_args(%scan3A_277 = %add3A_172, %scan3A_278 = %add3A_176, %scan3A_279 = %add3A_180, %scan3A_280 = %add3A_184, %scan3A_281 = %add3A_188, %scan3A_282 = %add3A_192, %scan3A_283 = %add3A_196, %scan3A_284 = %add3A_200, %scan3A_285 = %add3A_204, %scan3A_286 = %add3A_208, %scan3A_287 = %add3A_212, %scan3A_288 = %add3A_216, %scan3A_289 = %add3A_220, %scan3A_290 = %add3A_224, %scan3A_291 = %add3A_228, %scan3A_292 = %add3A_232) -> (vector<16xf32>, vector<16xf32>, vector<16xf32>, vector<16xf32>, vector<16xf32>, vector<16xf32>, vector<16xf32>, vector<16xf32>, vector<16xf32>, vector<16xf32>, vector<16xf32>, vector<16xf32>, vector<16xf32>, vector<16xf32>, vector<16xf32>, vector<16xf32>)  : i32 {
            %mul3A_293 = arith.constant 256 : i32
            %mul3A_294 = arith.muli %scan3A_276, %mul3A_293 : i32
            %add3A_295 = arith.constant 0 : i32
            %add3A_296 = arith.addi %mul3A_294, %add3A_295 : i32
            %get3A_297 = arith.index_cast %add3A_296 : i32 to index
            %get3A_298 = tpu.vector_load %arg10[%get3A_297] {strides = array<i32>} : memref<4096xi32, #tpu.memory_space<vmem>>, vector<16xi32>,
            %gather3A_299 = tpu.vector_load_idx %arg7[%get3A_298] : memref<100000xf32, #tpu.memory_space<vmem>>[vector<16xi32>], vector<16xf32>,
            %add3A_300 = arith.addf %gather3A_299, %get3A_169 : vector<16xf32>
            %add3A_301 = arith.constant 16 : i32
            %add3A_302 = arith.addi %mul3A_294, %add3A_301 : i32
            %get3A_303 = arith.index_cast %add3A_302 : i32 to index
            %get3A_304 = tpu.vector_load %arg10[%get3A_303] {strides = array<i32>} : memref<4096xi32, #tpu.memory_space<vmem>>, vector<16xi32>,
            %gather3A_305 = tpu.vector_load_idx %arg7[%get3A_304] : memref<100000xf32, #tpu.memory_space<vmem>>[vector<16xi32>], vector<16xf32>,
            %add3A_306 = arith.addf %gather3A_305, %get3A_169 : vector<16xf32>
            %add3A_307 = arith.constant 32 : i32
            %add3A_308 = arith.addi %mul3A_294, %add3A_307 : i32
            %get3A_309 = arith.index_cast %add3A_308 : i32 to index
            %get3A_310 = tpu.vector_load %arg10[%get3A_309] {strides = array<i32>} : memref<4096xi32, #tpu.memory_space<vmem>>, vector<16xi32>,
            %gather3A_311 = tpu.vector_load_idx %arg7[%get3A_310] : memref<100000xf32, #tpu.memory_space<vmem>>[vector<16xi32>], vector<16xf32>,
            %add3A_312 = arith.addf %gather3A_311, %get3A_169 : vector<16xf32>
            %add3A_313 = arith.constant 48 : i32
            %add3A_314 = arith.addi %mul3A_294, %add3A_313 : i32
            %get3A_315 = arith.index_cast %add3A_314 : i32 to index
            %get3A_316 = tpu.vector_load %arg10[%get3A_315] {strides = array<i32>} : memref<4096xi32, #tpu.memory_space<vmem>>, vector<16xi32>,
            %gather3A_317 = tpu.vector_load_idx %arg7[%get3A_316] : memref<100000xf32, #tpu.memory_space<vmem>>[vector<16xi32>], vector<16xf32>,
            %add3A_318 = arith.addf %gather3A_317, %get3A_169 : vector<16xf32>
            %add3A_319 = arith.constant 64 : i32
            %add3A_320 = arith.addi %mul3A_294, %add3A_319 : i32
            %get3A_321 = arith.index_cast %add3A_320 : i32 to index
            %get3A_322 = tpu.vector_load %arg10[%get3A_321] {strides = array<i32>} : memref<4096xi32, #tpu.memory_space<vmem>>, vector<16xi32>,
            %gather3A_323 = tpu.vector_load_idx %arg7[%get3A_322] : memref<100000xf32, #tpu.memory_space<vmem>>[vector<16xi32>], vector<16xf32>,
            %add3A_324 = arith.addf %gather3A_323, %get3A_169 : vector<16xf32>
            %add3A_325 = arith.constant 80 : i32
            %add3A_326 = arith.addi %mul3A_294, %add3A_325 : i32
            %get3A_327 = arith.index_cast %add3A_326 : i32 to index
            %get3A_328 = tpu.vector_load %arg10[%get3A_327] {strides = array<i32>} : memref<4096xi32, #tpu.memory_space<vmem>>, vector<16xi32>,
            %gather3A_329 = tpu.vector_load_idx %arg7[%get3A_328] : memref<100000xf32, #tpu.memory_space<vmem>>[vector<16xi32>], vector<16xf32>,
            %add3A_330 = arith.addf %gather3A_329, %get3A_169 : vector<16xf32>
            %add3A_331 = arith.constant 96 : i32
            %add3A_332 = arith.addi %mul3A_294, %add3A_331 : i32
            %get3A_333 = arith.index_cast %add3A_332 : i32 to index
            %get3A_334 = tpu.vector_load %arg10[%get3A_333] {strides = array<i32>} : memref<4096xi32, #tpu.memory_space<vmem>>, vector<16xi32>,
            %gather3A_335 = tpu.vector_load_idx %arg7[%get3A_334] : memref<100000xf32, #tpu.memory_space<vmem>>[vector<16xi32>], vector<16xf32>,
            %add3A_336 = arith.addf %gather3A_335, %get3A_169 : vector<16xf32>
            %add3A_337 = arith.constant 112 : i32
            %add3A_338 = arith.addi %mul3A_294, %add3A_337 : i32
            %get3A_339 = arith.index_cast %add3A_338 : i32 to index
            %get3A_340 = tpu.vector_load %arg10[%get3A_339] {strides = array<i32>} : memref<4096xi32, #tpu.memory_space<vmem>>, vector<16xi32>,
            %gather3A_341 = tpu.vector_load_idx %arg7[%get3A_340] : memref<100000xf32, #tpu.memory_space<vmem>>[vector<16xi32>], vector<16xf32>,
            %add3A_342 = arith.addf %gather3A_341, %get3A_169 : vector<16xf32>
            %add3A_343 = arith.constant 128 : i32
            %add3A_344 = arith.addi %mul3A_294, %add3A_343 : i32
            %get3A_345 = arith.index_cast %add3A_344 : i32 to index
            %get3A_346 = tpu.vector_load %arg10[%get3A_345] {strides = array<i32>} : memref<4096xi32, #tpu.memory_space<vmem>>, vector<16xi32>,
            %gather3A_347 = tpu.vector_load_idx %arg7[%get3A_346] : memref<100000xf32, #tpu.memory_space<vmem>>[vector<16xi32>], vector<16xf32>,
            %add3A_348 = arith.addf %gather3A_347, %get3A_169 : vector<16xf32>
            %add3A_349 = arith.constant 144 : i32
            %add3A_350 = arith.addi %mul3A_294, %add3A_349 : i32
            %get3A_351 = arith.index_cast %add3A_350 : i32 to index
            %get3A_352 = tpu.vector_load %arg10[%get3A_351] {strides = array<i32>} : memref<4096xi32, #tpu.memory_space<vmem>>, vector<16xi32>,
            %gather3A_353 = tpu.vector_load_idx %arg7[%get3A_352] : memref<100000xf32, #tpu.memory_space<vmem>>[vector<16xi32>], vector<16xf32>,
            %add3A_354 = arith.addf %gather3A_353, %get3A_169 : vector<16xf32>
            %add3A_355 = arith.constant 160 : i32
            %add3A_356 = arith.addi %mul3A_294, %add3A_355 : i32
            %get3A_357 = arith.index_cast %add3A_356 : i32 to index
            %get3A_358 = tpu.vector_load %arg10[%get3A_357] {strides = array<i32>} : memref<4096xi32, #tpu.memory_space<vmem>>, vector<16xi32>,
            %gather3A_359 = tpu.vector_load_idx %arg7[%get3A_358] : memref<100000xf32, #tpu.memory_space<vmem>>[vector<16xi32>], vector<16xf32>,
            %add3A_360 = arith.addf %gather3A_359, %get3A_169 : vector<16xf32>
            %add3A_361 = arith.constant 176 : i32
            %add3A_362 = arith.addi %mul3A_294, %add3A_361 : i32
            %get3A_363 = arith.index_cast %add3A_362 : i32 to index
            %get3A_364 = tpu.vector_load %arg10[%get3A_363] {strides = array<i32>} : memref<4096xi32, #tpu.memory_space<vmem>>, vector<16xi32>,
            %gather3A_365 = tpu.vector_load_idx %arg7[%get3A_364] : memref<100000xf32, #tpu.memory_space<vmem>>[vector<16xi32>], vector<16xf32>,
            %add3A_366 = arith.addf %gather3A_365, %get3A_169 : vector<16xf32>
            %add3A_367 = arith.constant 192 : i32
            %add3A_368 = arith.addi %mul3A_294, %add3A_367 : i32
            %get3A_369 = arith.index_cast %add3A_368 : i32 to index
            %get3A_370 = tpu.vector_load %arg10[%get3A_369] {strides = array<i32>} : memref<4096xi32, #tpu.memory_space<vmem>>, vector<16xi32>,
            %gather3A_371 = tpu.vector_load_idx %arg7[%get3A_370] : memref<100000xf32, #tpu.memory_space<vmem>>[vector<16xi32>], vector<16xf32>,
            %add3A_372 = arith.addf %gather3A_371, %get3A_169 : vector<16xf32>
            %add3A_373 = arith.constant 208 : i32
            %add3A_374 = arith.addi %mul3A_294, %add3A_373 : i32
            %get3A_375 = arith.index_cast %add3A_374 : i32 to index
            %get3A_376 = tpu.vector_load %arg10[%get3A_375] {strides = array<i32>} : memref<4096xi32, #tpu.memory_space<vmem>>, vector<16xi32>,
            %gather3A_377 = tpu.vector_load_idx %arg7[%get3A_376] : memref<100000xf32, #tpu.memory_space<vmem>>[vector<16xi32>], vector<16xf32>,
            %add3A_378 = arith.addf %gather3A_377, %get3A_169 : vector<16xf32>
            %add3A_379 = arith.constant 224 : i32
            %add3A_380 = arith.addi %mul3A_294, %add3A_379 : i32
            %get3A_381 = arith.index_cast %add3A_380 : i32 to index
            %get3A_382 = tpu.vector_load %arg10[%get3A_381] {strides = array<i32>} : memref<4096xi32, #tpu.memory_space<vmem>>, vector<16xi32>,
            %gather3A_383 = tpu.vector_load_idx %arg7[%get3A_382] : memref<100000xf32, #tpu.memory_space<vmem>>[vector<16xi32>], vector<16xf32>,
            %add3A_384 = arith.addf %gather3A_383, %get3A_169 : vector<16xf32>
            %add3A_385 = arith.constant 240 : i32
            %add3A_386 = arith.addi %mul3A_294, %add3A_385 : i32
            %get3A_387 = arith.index_cast %add3A_386 : i32 to index
            %get3A_388 = tpu.vector_load %arg10[%get3A_387] {strides = array<i32>} : memref<4096xi32, #tpu.memory_space<vmem>>, vector<16xi32>,
            %gather3A_389 = tpu.vector_load_idx %arg7[%get3A_388] : memref<100000xf32, #tpu.memory_space<vmem>>[vector<16xi32>], vector<16xf32>,
            %add3A_390 = arith.addf %gather3A_389, %get3A_169 : vector<16xf32>
            %sub3A = arith.constant 1 : i32
            %sub3A_391 = arith.subi %scan3A_276, %sub3A : i32
            %mul3A_392 = arith.constant 256 : i32
            %mul3A_393 = arith.muli %sub3A_391, %mul3A_392 : i32
            %add3A_394 = arith.constant 0 : i32
            %add3A_395 = arith.addi %mul3A_393, %add3A_394 : i32
            %swap3A_396 = arith.index_cast %add3A_395 : i32 to index
            %swap3A_397 = tpu.vector_load %arg12[%swap3A_396] {strides = array<i32>} : memref<4096xf32, #tpu.memory_space<vmem>>, vector<16xf32>,
            tpu.vector_store %arg12[%swap3A_396], %scan3A_277 {strides = array<i32>} : memref<4096xf32, #tpu.memory_space<vmem>>, vector<16xf32>,
            %add3A_398 = arith.constant 16 : i32
            %add3A_399 = arith.addi %mul3A_393, %add3A_398 : i32
            %swap3A_400 = arith.index_cast %add3A_399 : i32 to index
            %swap3A_401 = tpu.vector_load %arg12[%swap3A_400] {strides = array<i32>} : memref<4096xf32, #tpu.memory_space<vmem>>, vector<16xf32>,
            tpu.vector_store %arg12[%swap3A_400], %scan3A_278 {strides = array<i32>} : memref<4096xf32, #tpu.memory_space<vmem>>, vector<16xf32>,
            %add3A_402 = arith.constant 32 : i32
            %add3A_403 = arith.addi %mul3A_393, %add3A_402 : i32
            %swap3A_404 = arith.index_cast %add3A_403 : i32 to index
            %swap3A_405 = tpu.vector_load %arg12[%swap3A_404] {strides = array<i32>} : memref<4096xf32, #tpu.memory_space<vmem>>, vector<16xf32>,
            tpu.vector_store %arg12[%swap3A_404], %scan3A_279 {strides = array<i32>} : memref<4096xf32, #tpu.memory_space<vmem>>, vector<16xf32>,
            %add3A_406 = arith.constant 48 : i32
            %add3A_407 = arith.addi %mul3A_393, %add3A_406 : i32
            %swap3A_408 = arith.index_cast %add3A_407 : i32 to index
            %swap3A_409 = tpu.vector_load %arg12[%swap3A_408] {strides = array<i32>} : memref<4096xf32, #tpu.memory_space<vmem>>, vector<16xf32>,
            tpu.vector_store %arg12[%swap3A_408], %scan3A_280 {strides = array<i32>} : memref<4096xf32, #tpu.memory_space<vmem>>, vector<16xf32>,
            %add3A_410 = arith.constant 64 : i32
            %add3A_411 = arith.addi %mul3A_393, %add3A_410 : i32
            %swap3A_412 = arith.index_cast %add3A_411 : i32 to index
            %swap3A_413 = tpu.vector_load %arg12[%swap3A_412] {strides = array<i32>} : memref<4096xf32, #tpu.memory_space<vmem>>, vector<16xf32>,
            tpu.vector_store %arg12[%swap3A_412], %scan3A_281 {strides = array<i32>} : memref<4096xf32, #tpu.memory_space<vmem>>, vector<16xf32>,
            %add3A_414 = arith.constant 80 : i32
            %add3A_415 = arith.addi %mul3A_393, %add3A_414 : i32
            %swap3A_416 = arith.index_cast %add3A_415 : i32 to index
            %swap3A_417 = tpu.vector_load %arg12[%swap3A_416] {strides = array<i32>} : memref<4096xf32, #tpu.memory_space<vmem>>, vector<16xf32>,
            tpu.vector_store %arg12[%swap3A_416], %scan3A_282 {strides = array<i32>} : memref<4096xf32, #tpu.memory_space<vmem>>, vector<16xf32>,
            %add3A_418 = arith.constant 96 : i32
            %add3A_419 = arith.addi %mul3A_393, %add3A_418 : i32
            %swap3A_420 = arith.index_cast %add3A_419 : i32 to index
            %swap3A_421 = tpu.vector_load %arg12[%swap3A_420] {strides = array<i32>} : memref<4096xf32, #tpu.memory_space<vmem>>, vector<16xf32>,
            tpu.vector_store %arg12[%swap3A_420], %scan3A_283 {strides = array<i32>} : memref<4096xf32, #tpu.memory_space<vmem>>, vector<16xf32>,
            %add3A_422 = arith.constant 112 : i32
            %add3A_423 = arith.addi %mul3A_393, %add3A_422 : i32
            %swap3A_424 = arith.index_cast %add3A_423 : i32 to index
            %swap3A_425 = tpu.vector_load %arg12[%swap3A_424] {strides = array<i32>} : memref<4096xf32, #tpu.memory_space<vmem>>, vector<16xf32>,
            tpu.vector_store %arg12[%swap3A_424], %scan3A_284 {strides = array<i32>} : memref<4096xf32, #tpu.memory_space<vmem>>, vector<16xf32>,
            %add3A_426 = arith.constant 128 : i32
            %add3A_427 = arith.addi %mul3A_393, %add3A_426 : i32
            %swap3A_428 = arith.index_cast %add3A_427 : i32 to index
            %swap3A_429 = tpu.vector_load %arg12[%swap3A_428] {strides = array<i32>} : memref<4096xf32, #tpu.memory_space<vmem>>, vector<16xf32>,
            tpu.vector_store %arg12[%swap3A_428], %scan3A_285 {strides = array<i32>} : memref<4096xf32, #tpu.memory_space<vmem>>, vector<16xf32>,
            %add3A_430 = arith.constant 144 : i32
            %add3A_431 = arith.addi %mul3A_393, %add3A_430 : i32
            %swap3A_432 = arith.index_cast %add3A_431 : i32 to index
            %swap3A_433 = tpu.vector_load %arg12[%swap3A_432] {strides = array<i32>} : memref<4096xf32, #tpu.memory_space<vmem>>, vector<16xf32>,
            tpu.vector_store %arg12[%swap3A_432], %scan3A_286 {strides = array<i32>} : memref<4096xf32, #tpu.memory_space<vmem>>, vector<16xf32>,
            %add3A_434 = arith.constant 160 : i32
            %add3A_435 = arith.addi %mul3A_393, %add3A_434 : i32
            %swap3A_436 = arith.index_cast %add3A_435 : i32 to index
            %swap3A_437 = tpu.vector_load %arg12[%swap3A_436] {strides = array<i32>} : memref<4096xf32, #tpu.memory_space<vmem>>, vector<16xf32>,
            tpu.vector_store %arg12[%swap3A_436], %scan3A_287 {strides = array<i32>} : memref<4096xf32, #tpu.memory_space<vmem>>, vector<16xf32>,
            %add3A_438 = arith.constant 176 : i32
            %add3A_439 = arith.addi %mul3A_393, %add3A_438 : i32
            %swap3A_440 = arith.index_cast %add3A_439 : i32 to index
            %swap3A_441 = tpu.vector_load %arg12[%swap3A_440] {strides = array<i32>} : memref<4096xf32, #tpu.memory_space<vmem>>, vector<16xf32>,
            tpu.vector_store %arg12[%swap3A_440], %scan3A_288 {strides = array<i32>} : memref<4096xf32, #tpu.memory_space<vmem>>, vector<16xf32>,
            %add3A_442 = arith.constant 192 : i32
            %add3A_443 = arith.addi %mul3A_393, %add3A_442 : i32
            %swap3A_444 = arith.index_cast %add3A_443 : i32 to index
            %swap3A_445 = tpu.vector_load %arg12[%swap3A_444] {strides = array<i32>} : memref<4096xf32, #tpu.memory_space<vmem>>, vector<16xf32>,
            tpu.vector_store %arg12[%swap3A_444], %scan3A_289 {strides = array<i32>} : memref<4096xf32, #tpu.memory_space<vmem>>, vector<16xf32>,
            %add3A_446 = arith.constant 208 : i32
            %add3A_447 = arith.addi %mul3A_393, %add3A_446 : i32
            %swap3A_448 = arith.index_cast %add3A_447 : i32 to index
            %swap3A_449 = tpu.vector_load %arg12[%swap3A_448] {strides = array<i32>} : memref<4096xf32, #tpu.memory_space<vmem>>, vector<16xf32>,
            tpu.vector_store %arg12[%swap3A_448], %scan3A_290 {strides = array<i32>} : memref<4096xf32, #tpu.memory_space<vmem>>, vector<16xf32>,
            %add3A_450 = arith.constant 224 : i32
            %add3A_451 = arith.addi %mul3A_393, %add3A_450 : i32
            %swap3A_452 = arith.index_cast %add3A_451 : i32 to index
            %swap3A_453 = tpu.vector_load %arg12[%swap3A_452] {strides = array<i32>} : memref<4096xf32, #tpu.memory_space<vmem>>, vector<16xf32>,
            tpu.vector_store %arg12[%swap3A_452], %scan3A_291 {strides = array<i32>} : memref<4096xf32, #tpu.memory_space<vmem>>, vector<16xf32>,
            %add3A_454 = arith.constant 240 : i32
            %add3A_455 = arith.addi %mul3A_393, %add3A_454 : i32
            %swap3A_456 = arith.index_cast %add3A_455 : i32 to index
            %swap3A_457 = tpu.vector_load %arg12[%swap3A_456] {strides = array<i32>} : memref<4096xf32, #tpu.memory_space<vmem>>, vector<16xf32>,
            tpu.vector_store %arg12[%swap3A_456], %scan3A_292 {strides = array<i32>} : memref<4096xf32, #tpu.memory_space<vmem>>, vector<16xf32>,
            scf.yield %add3A_300, %add3A_306, %add3A_312, %add3A_318, %add3A_324, %add3A_330, %add3A_336, %add3A_342, %add3A_348, %add3A_354, %add3A_360, %add3A_366, %add3A_372, %add3A_378, %add3A_384, %add3A_390 : vector<16xf32>, vector<16xf32>, vector<16xf32>, vector<16xf32>, vector<16xf32>, vector<16xf32>, vector<16xf32>, vector<16xf32>, vector<16xf32>, vector<16xf32>, vector<16xf32>, vector<16xf32>, vector<16xf32>, vector<16xf32>, vector<16xf32>, vector<16xf32>
          }
          %scan3A_238 = arith.constant 15 : i32
          %swap3A = arith.constant 3840 : index
          %swap3A_239 = tpu.vector_load %arg12[%swap3A] {strides = array<i32>} : memref<4096xf32, #tpu.memory_space<vmem>>, vector<16xf32>,
          tpu.vector_store %arg12[%swap3A], %scan3A_237#0 {strides = array<i32>} : memref<4096xf32, #tpu.memory_space<vmem>>, vector<16xf32>,
          %swap3A_240 = arith.constant 3856 : index
          %swap3A_241 = tpu.vector_load %arg12[%swap3A_240] {strides = array<i32>} : memref<4096xf32, #tpu.memory_space<vmem>>, vector<16xf32>,
          tpu.vector_store %arg12[%swap3A_240], %scan3A_237#1 {strides = array<i32>} : memref<4096xf32, #tpu.memory_space<vmem>>, vector<16xf32>,
          %swap3A_242 = arith.constant 3872 : index
          %swap3A_243 = tpu.vector_load %arg12[%swap3A_242] {strides = array<i32>} : memref<4096xf32, #tpu.memory_space<vmem>>, vector<16xf32>,
          tpu.vector_store %arg12[%swap3A_242], %scan3A_237#2 {strides = array<i32>} : memref<4096xf32, #tpu.memory_space<vmem>>, vector<16xf32>,
          %swap3A_244 = arith.constant 3888 : index
          %swap3A_245 = tpu.vector_load %arg12[%swap3A_244] {strides = array<i32>} : memref<4096xf32, #tpu.memory_space<vmem>>, vector<16xf32>,
          tpu.vector_store %arg12[%swap3A_244], %scan3A_237#3 {strides = array<i32>} : memref<4096xf32, #tpu.memory_space<vmem>>, vector<16xf32>,
          %swap3A_246 = arith.constant 3904 : index
          %swap3A_247 = tpu.vector_load %arg12[%swap3A_246] {strides = array<i32>} : memref<4096xf32, #tpu.memory_space<vmem>>, vector<16xf32>,
          tpu.vector_store %arg12[%swap3A_246], %scan3A_237#4 {strides = array<i32>} : memref<4096xf32, #tpu.memory_space<vmem>>, vector<16xf32>,
          %swap3A_248 = arith.constant 3920 : index
          %swap3A_249 = tpu.vector_load %arg12[%swap3A_248] {strides = array<i32>} : memref<4096xf32, #tpu.memory_space<vmem>>, vector<16xf32>,
          tpu.vector_store %arg12[%swap3A_248], %scan3A_237#5 {strides = array<i32>} : memref<4096xf32, #tpu.memory_space<vmem>>, vector<16xf32>,
          %swap3A_250 = arith.constant 3936 : index
          %swap3A_251 = tpu.vector_load %arg12[%swap3A_250] {strides = array<i32>} : memref<4096xf32, #tpu.memory_space<vmem>>, vector<16xf32>,
          tpu.vector_store %arg12[%swap3A_250], %scan3A_237#6 {strides = array<i32>} : memref<4096xf32, #tpu.memory_space<vmem>>, vector<16xf32>,
          %swap3A_252 = arith.constant 3952 : index
          %swap3A_253 = tpu.vector_load %arg12[%swap3A_252] {strides = array<i32>} : memref<4096xf32, #tpu.memory_space<vmem>>, vector<16xf32>,
          tpu.vector_store %arg12[%swap3A_252], %scan3A_237#7 {strides = array<i32>} : memref<4096xf32, #tpu.memory_space<vmem>>, vector<16xf32>,
          %swap3A_254 = arith.constant 3968 : index
          %swap3A_255 = tpu.vector_load %arg12[%swap3A_254] {strides = array<i32>} : memref<4096xf32, #tpu.memory_space<vmem>>, vector<16xf32>,
          tpu.vector_store %arg12[%swap3A_254], %scan3A_237#8 {strides = array<i32>} : memref<4096xf32, #tpu.memory_space<vmem>>, vector<16xf32>,
          %swap3A_256 = arith.constant 3984 : index
          %swap3A_257 = tpu.vector_load %arg12[%swap3A_256] {strides = array<i32>} : memref<4096xf32, #tpu.memory_space<vmem>>, vector<16xf32>,
          tpu.vector_store %arg12[%swap3A_256], %scan3A_237#9 {strides = array<i32>} : memref<4096xf32, #tpu.memory_space<vmem>>, vector<16xf32>,
          %swap3A_258 = arith.constant 4000 : index
          %swap3A_259 = tpu.vector_load %arg12[%swap3A_258] {strides = array<i32>} : memref<4096xf32, #tpu.memory_space<vmem>>, vector<16xf32>,
          tpu.vector_store %arg12[%swap3A_258], %scan3A_237#10 {strides = array<i32>} : memref<4096xf32, #tpu.memory_space<vmem>>, vector<16xf32>,
          %swap3A_260 = arith.constant 4016 : index
          %swap3A_261 = tpu.vector_load %arg12[%swap3A_260] {strides = array<i32>} : memref<4096xf32, #tpu.memory_space<vmem>>, vector<16xf32>,
          tpu.vector_store %arg12[%swap3A_260], %scan3A_237#11 {strides = array<i32>} : memref<4096xf32, #tpu.memory_space<vmem>>, vector<16xf32>,
          %swap3A_262 = arith.constant 4032 : index
          %swap3A_263 = tpu.vector_load %arg12[%swap3A_262] {strides = array<i32>} : memref<4096xf32, #tpu.memory_space<vmem>>, vector<16xf32>,
          tpu.vector_store %arg12[%swap3A_262], %scan3A_237#12 {strides = array<i32>} : memref<4096xf32, #tpu.memory_space<vmem>>, vector<16xf32>,
          %swap3A_264 = arith.constant 4048 : index
          %swap3A_265 = tpu.vector_load %arg12[%swap3A_264] {strides = array<i32>} : memref<4096xf32, #tpu.memory_space<vmem>>, vector<16xf32>,
          tpu.vector_store %arg12[%swap3A_264], %scan3A_237#13 {strides = array<i32>} : memref<4096xf32, #tpu.memory_space<vmem>>, vector<16xf32>,
          %swap3A_266 = arith.constant 4064 : index
          %swap3A_267 = tpu.vector_load %arg12[%swap3A_266] {strides = array<i32>} : memref<4096xf32, #tpu.memory_space<vmem>>, vector<16xf32>,
          tpu.vector_store %arg12[%swap3A_266], %scan3A_237#14 {strides = array<i32>} : memref<4096xf32, #tpu.memory_space<vmem>>, vector<16xf32>,
          %swap3A_268 = arith.constant 4080 : index
          %swap3A_269 = tpu.vector_load %arg12[%swap3A_268] {strides = array<i32>} : memref<4096xf32, #tpu.memory_space<vmem>>, vector<16xf32>,
          tpu.vector_store %arg12[%swap3A_268], %scan3A_237#15 {strides = array<i32>} : memref<4096xf32, #tpu.memory_space<vmem>>, vector<16xf32>,
          %dma_start3A_270 = arith.constant 0 : i32
          %dma_start3A_271 = tpu.memref_slice %arg6[%scan3A_113, %add3A_72, %dma_start3A_270] : memref<20x64x4096xf32, #tpu.memory_space<hbm>> -> memref<1x1x4096xf32, #tpu.memory_space<hbm>>
          %dma_start3A_272 = tpu.memref_squeeze %dma_start3A_271 : memref<1x1x4096xf32, #tpu.memory_space<hbm>> -> memref<4096xf32, #tpu.memory_space<hbm>>
          %dma_start3A_273 = arith.constant 0 : i32
          %dma_start3A_274 = tpu.memref_slice %arg6[%scan3A_113, %add3A_72, %dma_start3A_273] : memref<20x64x4096xf32, #tpu.memory_space<hbm>> -> memref<1x1x4096xf32, #tpu.memory_space<hbm>>
          %dma_start3A_275 = tpu.memref_squeeze %dma_start3A_274 : memref<1x1x4096xf32, #tpu.memory_space<hbm>> -> memref<4096xf32, #tpu.memory_space<hbm>>
          tpu.enqueue_dma source(%arg12 : memref<4096xf32, #tpu.memory_space<vmem>>) target(%dma_start3A_275 : memref<4096xf32, #tpu.memory_space<hbm>>) target_semaphore(%arg18 : memref<!tpu.dma_semaphore, #tpu.memory_space<semaphore_mem>>)
        } else {
        }
        %jit3A_130 = arith.constant 2 : i32
        %eq3A_131 = arith.constant 0 : i32
        %eq3A_132 = arith.cmpi eq, %jit3A_130, %eq3A_131 : i32
        %jit3A_133 = arith.constant 1 : i32
        %select_n3A_134 = arith.select %eq3A_132, %jit3A_133, %jit3A_130 : i32
        %rem3A_135 = arith.remsi %scan3A_113, %select_n3A_134 : i32
        %ne3A_136 = arith.constant 0 : i32
        %ne3A_137 = arith.cmpi ne, %rem3A_135, %ne3A_136 : i32
        %lt3A_138 = arith.constant 0 : i32
        %lt3A_139 = arith.cmpi slt, %rem3A_135, %lt3A_138 : i32
        %lt3A_140 = arith.constant 0 : i32
        %lt3A_141 = arith.cmpi slt, %select_n3A_134, %lt3A_140 : i32
        %ne3A_142 = arith.xori %lt3A_139, %lt3A_141 : i1
        %and3A_143 = arith.andi %ne3A_142, %ne3A_137 : i1
        %add3A_144 = arith.addi %rem3A_135, %select_n3A_134 : i32
        %select_n3A_145 = arith.select %and3A_143, %add3A_144, %rem3A_135 : i32
        %eq3A_146 = arith.constant 1 : i32
        %eq3A_147 = arith.cmpi eq, %select_n3A_145, %eq3A_146 : i32
        %convert_element_type3A_148 = arith.extui %eq3A_147 : i1 to i32
        %cond3A_149 = arith.constant 0 : i32
        %cond3A_150 = arith.cmpi ne, %convert_element_type3A_148, %cond3A_149 : i32
        scf.if %cond3A_150 {
          %mul3A_152 = arith.constant 4096 : i32
          %mul3A_153 = arith.muli %scan3A_113, %mul3A_152 : i32
          %dma_wait3A_154 = tpu.memref_slice %arg15[%mul3A_153] : memref<81920xi32, #tpu.memory_space<vmem_shared>> -> memref<4096xi32, #tpu.memory_space<vmem_shared>>
          %dma_wait3A_155 = tpu.memref_slice %arg15[%mul3A_153] : memref<81920xi32, #tpu.memory_space<vmem_shared>> -> memref<4096xi32, #tpu.memory_space<vmem_shared>>
          tpu.wait_dma2 semaphore(%arg17 : memref<!tpu.dma_semaphore, #tpu.memory_space<semaphore_mem>>) src(%dma_wait3A_155 : memref<4096xi32, #tpu.memory_space<vmem_shared>>) dst(%arg11 : memref<4096xi32, #tpu.memory_space<vmem>>)
          %add3A_156 = arith.constant 1 : i32
          %add3A_157 = arith.addi %scan3A_113, %add3A_156 : i32
          %lt3A_158 = arith.constant 20 : i32
          %lt3A_159 = arith.cmpi slt, %add3A_157, %lt3A_158 : i32
          %convert_element_type3A_160 = arith.extui %lt3A_159 : i1 to i32
          %cond3A_161 = arith.constant 0 : i32
          %cond3A_162 = arith.cmpi ne, %convert_element_type3A_160, %cond3A_161 : i32
          scf.if %cond3A_162 {
            %add3A_276 = arith.constant 1 : i32
            %add3A_277 = arith.addi %scan3A_113, %add3A_276 : i32
            %mul3A_278 = arith.constant 4096 : i32
            %mul3A_279 = arith.muli %add3A_277, %mul3A_278 : i32
            %dma_start3A_280 = tpu.memref_slice %arg15[%mul3A_279] : memref<81920xi32, #tpu.memory_space<vmem_shared>> -> memref<4096xi32, #tpu.memory_space<vmem_shared>>
            %dma_start3A_281 = tpu.memref_slice %arg15[%mul3A_279] : memref<81920xi32, #tpu.memory_space<vmem_shared>> -> memref<4096xi32, #tpu.memory_space<vmem_shared>>
            tpu.enqueue_dma source(%dma_start3A_281 : memref<4096xi32, #tpu.memory_space<vmem_shared>>) target(%arg10 : memref<4096xi32, #tpu.memory_space<vmem>>) target_semaphore(%arg17 : memref<!tpu.dma_semaphore, #tpu.memory_space<semaphore_mem>>)
          } else {
          }
          %ge3A = arith.constant 2 : i32
          %ge3A_163 = arith.cmpi sge, %scan3A_113, %ge3A : i32
          %convert_element_type3A_164 = arith.extui %ge3A_163 : i1 to i32
          %cond3A_165 = arith.constant 0 : i32
          %cond3A_166 = arith.cmpi ne, %convert_element_type3A_164, %cond3A_165 : i32
          scf.if %cond3A_166 {
            %sub3A = arith.constant 2 : i32
            %sub3A_276 = arith.subi %scan3A_113, %sub3A : i32
            %dma_wait3A_277 = arith.constant 0 : i32
            %dma_wait3A_278 = tpu.memref_slice %arg6[%sub3A_276, %add3A_72, %dma_wait3A_277] : memref<20x64x4096xf32, #tpu.memory_space<hbm>> -> memref<1x1x4096xf32, #tpu.memory_space<hbm>>
            %dma_wait3A_279 = tpu.memref_squeeze %dma_wait3A_278 : memref<1x1x4096xf32, #tpu.memory_space<hbm>> -> memref<4096xf32, #tpu.memory_space<hbm>>
            %dma_wait3A_280 = arith.constant 0 : i32
            %dma_wait3A_281 = tpu.memref_slice %arg6[%sub3A_276, %add3A_72, %dma_wait3A_280] : memref<20x64x4096xf32, #tpu.memory_space<hbm>> -> memref<1x1x4096xf32, #tpu.memory_space<hbm>>
            %dma_wait3A_282 = tpu.memref_squeeze %dma_wait3A_281 : memref<1x1x4096xf32, #tpu.memory_space<hbm>> -> memref<4096xf32, #tpu.memory_space<hbm>>
            tpu.wait_dma2 semaphore(%arg19 : memref<!tpu.dma_semaphore, #tpu.memory_space<semaphore_mem>>) src(%arg13 : memref<4096xf32, #tpu.memory_space<vmem>>) dst(%dma_wait3A_282 : memref<4096xf32, #tpu.memory_space<hbm>>)
          } else {
          }
          %mul3A_167 = arith.constant 16 : i32
          %mul3A_168 = arith.muli %scan3A_113, %mul3A_167 : i32
          %get3A = arith.index_cast %mul3A_168 : i32 to index
          %get3A_169 = tpu.vector_load %arg14[%get3A] {strides = array<i32>} : memref<320xf32, #tpu.memory_space<vmem>>, vector<16xf32>,
          %get3A_170 = arith.constant 0 : index
          %get3A_171 = tpu.vector_load %arg11[%get3A_170] {strides = array<i32>} : memref<4096xi32, #tpu.memory_space<vmem>>, vector<16xi32>,
          %gather3A = tpu.vector_load_idx %arg7[%get3A_171] : memref<100000xf32, #tpu.memory_space<vmem>>[vector<16xi32>], vector<16xf32>,
          %add3A_172 = arith.addf %gather3A, %get3A_169 : vector<16xf32>
          %get3A_173 = arith.constant 16 : index
          %get3A_174 = tpu.vector_load %arg11[%get3A_173] {strides = array<i32>} : memref<4096xi32, #tpu.memory_space<vmem>>, vector<16xi32>,
          %gather3A_175 = tpu.vector_load_idx %arg7[%get3A_174] : memref<100000xf32, #tpu.memory_space<vmem>>[vector<16xi32>], vector<16xf32>,
          %add3A_176 = arith.addf %gather3A_175, %get3A_169 : vector<16xf32>
          %get3A_177 = arith.constant 32 : index
          %get3A_178 = tpu.vector_load %arg11[%get3A_177] {strides = array<i32>} : memref<4096xi32, #tpu.memory_space<vmem>>, vector<16xi32>,
          %gather3A_179 = tpu.vector_load_idx %arg7[%get3A_178] : memref<100000xf32, #tpu.memory_space<vmem>>[vector<16xi32>], vector<16xf32>,
          %add3A_180 = arith.addf %gather3A_179, %get3A_169 : vector<16xf32>
          %get3A_181 = arith.constant 48 : index
          %get3A_182 = tpu.vector_load %arg11[%get3A_181] {strides = array<i32>} : memref<4096xi32, #tpu.memory_space<vmem>>, vector<16xi32>,
          %gather3A_183 = tpu.vector_load_idx %arg7[%get3A_182] : memref<100000xf32, #tpu.memory_space<vmem>>[vector<16xi32>], vector<16xf32>,
          %add3A_184 = arith.addf %gather3A_183, %get3A_169 : vector<16xf32>
          %get3A_185 = arith.constant 64 : index
          %get3A_186 = tpu.vector_load %arg11[%get3A_185] {strides = array<i32>} : memref<4096xi32, #tpu.memory_space<vmem>>, vector<16xi32>,
          %gather3A_187 = tpu.vector_load_idx %arg7[%get3A_186] : memref<100000xf32, #tpu.memory_space<vmem>>[vector<16xi32>], vector<16xf32>,
          %add3A_188 = arith.addf %gather3A_187, %get3A_169 : vector<16xf32>
          %get3A_189 = arith.constant 80 : index
          %get3A_190 = tpu.vector_load %arg11[%get3A_189] {strides = array<i32>} : memref<4096xi32, #tpu.memory_space<vmem>>, vector<16xi32>,
          %gather3A_191 = tpu.vector_load_idx %arg7[%get3A_190] : memref<100000xf32, #tpu.memory_space<vmem>>[vector<16xi32>], vector<16xf32>,
          %add3A_192 = arith.addf %gather3A_191, %get3A_169 : vector<16xf32>
          %get3A_193 = arith.constant 96 : index
          %get3A_194 = tpu.vector_load %arg11[%get3A_193] {strides = array<i32>} : memref<4096xi32, #tpu.memory_space<vmem>>, vector<16xi32>,
          %gather3A_195 = tpu.vector_load_idx %arg7[%get3A_194] : memref<100000xf32, #tpu.memory_space<vmem>>[vector<16xi32>], vector<16xf32>,
          %add3A_196 = arith.addf %gather3A_195, %get3A_169 : vector<16xf32>
          %get3A_197 = arith.constant 112 : index
          %get3A_198 = tpu.vector_load %arg11[%get3A_197] {strides = array<i32>} : memref<4096xi32, #tpu.memory_space<vmem>>, vector<16xi32>,
          %gather3A_199 = tpu.vector_load_idx %arg7[%get3A_198] : memref<100000xf32, #tpu.memory_space<vmem>>[vector<16xi32>], vector<16xf32>,
          %add3A_200 = arith.addf %gather3A_199, %get3A_169 : vector<16xf32>
          %get3A_201 = arith.constant 128 : index
          %get3A_202 = tpu.vector_load %arg11[%get3A_201] {strides = array<i32>} : memref<4096xi32, #tpu.memory_space<vmem>>, vector<16xi32>,
          %gather3A_203 = tpu.vector_load_idx %arg7[%get3A_202] : memref<100000xf32, #tpu.memory_space<vmem>>[vector<16xi32>], vector<16xf32>,
          %add3A_204 = arith.addf %gather3A_203, %get3A_169 : vector<16xf32>
          %get3A_205 = arith.constant 144 : index
          %get3A_206 = tpu.vector_load %arg11[%get3A_205] {strides = array<i32>} : memref<4096xi32, #tpu.memory_space<vmem>>, vector<16xi32>,
          %gather3A_207 = tpu.vector_load_idx %arg7[%get3A_206] : memref<100000xf32, #tpu.memory_space<vmem>>[vector<16xi32>], vector<16xf32>,
          %add3A_208 = arith.addf %gather3A_207, %get3A_169 : vector<16xf32>
          %get3A_209 = arith.constant 160 : index
          %get3A_210 = tpu.vector_load %arg11[%get3A_209] {strides = array<i32>} : memref<4096xi32, #tpu.memory_space<vmem>>, vector<16xi32>,
          %gather3A_211 = tpu.vector_load_idx %arg7[%get3A_210] : memref<100000xf32, #tpu.memory_space<vmem>>[vector<16xi32>], vector<16xf32>,
          %add3A_212 = arith.addf %gather3A_211, %get3A_169 : vector<16xf32>
          %get3A_213 = arith.constant 176 : index
          %get3A_214 = tpu.vector_load %arg11[%get3A_213] {strides = array<i32>} : memref<4096xi32, #tpu.memory_space<vmem>>, vector<16xi32>,
          %gather3A_215 = tpu.vector_load_idx %arg7[%get3A_214] : memref<100000xf32, #tpu.memory_space<vmem>>[vector<16xi32>], vector<16xf32>,
          %add3A_216 = arith.addf %gather3A_215, %get3A_169 : vector<16xf32>
          %get3A_217 = arith.constant 192 : index
          %get3A_218 = tpu.vector_load %arg11[%get3A_217] {strides = array<i32>} : memref<4096xi32, #tpu.memory_space<vmem>>, vector<16xi32>,
          %gather3A_219 = tpu.vector_load_idx %arg7[%get3A_218] : memref<100000xf32, #tpu.memory_space<vmem>>[vector<16xi32>], vector<16xf32>,
          %add3A_220 = arith.addf %gather3A_219, %get3A_169 : vector<16xf32>
          %get3A_221 = arith.constant 208 : index
          %get3A_222 = tpu.vector_load %arg11[%get3A_221] {strides = array<i32>} : memref<4096xi32, #tpu.memory_space<vmem>>, vector<16xi32>,
          %gather3A_223 = tpu.vector_load_idx %arg7[%get3A_222] : memref<100000xf32, #tpu.memory_space<vmem>>[vector<16xi32>], vector<16xf32>,
          %add3A_224 = arith.addf %gather3A_223, %get3A_169 : vector<16xf32>
          %get3A_225 = arith.constant 224 : index
          %get3A_226 = tpu.vector_load %arg11[%get3A_225] {strides = array<i32>} : memref<4096xi32, #tpu.memory_space<vmem>>, vector<16xi32>,
          %gather3A_227 = tpu.vector_load_idx %arg7[%get3A_226] : memref<100000xf32, #tpu.memory_space<vmem>>[vector<16xi32>], vector<16xf32>,
          %add3A_228 = arith.addf %gather3A_227, %get3A_169 : vector<16xf32>
          %get3A_229 = arith.constant 240 : index
          %get3A_230 = tpu.vector_load %arg11[%get3A_229] {strides = array<i32>} : memref<4096xi32, #tpu.memory_space<vmem>>, vector<16xi32>,
          %gather3A_231 = tpu.vector_load_idx %arg7[%get3A_230] : memref<100000xf32, #tpu.memory_space<vmem>>[vector<16xi32>], vector<16xf32>,
          %add3A_232 = arith.addf %gather3A_231, %get3A_169 : vector<16xf32>
          %scan3A_233 = arith.constant 1 : i32
          %scan3A_234 = arith.constant 15 : i32
          %scan3A_235 = arith.addi %scan3A_233, %scan3A_234 : i32
          %scan3A_236 = arith.constant 1 : i32
          %scan3A_237:16 = scf.for %scan3A_276 = %scan3A_233 to %scan3A_235 step %scan3A_236 iter_args(%scan3A_277 = %add3A_172, %scan3A_278 = %add3A_176, %scan3A_279 = %add3A_180, %scan3A_280 = %add3A_184, %scan3A_281 = %add3A_188, %scan3A_282 = %add3A_192, %scan3A_283 = %add3A_196, %scan3A_284 = %add3A_200, %scan3A_285 = %add3A_204, %scan3A_286 = %add3A_208, %scan3A_287 = %add3A_212, %scan3A_288 = %add3A_216, %scan3A_289 = %add3A_220, %scan3A_290 = %add3A_224, %scan3A_291 = %add3A_228, %scan3A_292 = %add3A_232) -> (vector<16xf32>, vector<16xf32>, vector<16xf32>, vector<16xf32>, vector<16xf32>, vector<16xf32>, vector<16xf32>, vector<16xf32>, vector<16xf32>, vector<16xf32>, vector<16xf32>, vector<16xf32>, vector<16xf32>, vector<16xf32>, vector<16xf32>, vector<16xf32>)  : i32 {
            %mul3A_293 = arith.constant 256 : i32
            %mul3A_294 = arith.muli %scan3A_276, %mul3A_293 : i32
            %add3A_295 = arith.constant 0 : i32
            %add3A_296 = arith.addi %mul3A_294, %add3A_295 : i32
            %get3A_297 = arith.index_cast %add3A_296 : i32 to index
            %get3A_298 = tpu.vector_load %arg11[%get3A_297] {strides = array<i32>} : memref<4096xi32, #tpu.memory_space<vmem>>, vector<16xi32>,
            %gather3A_299 = tpu.vector_load_idx %arg7[%get3A_298] : memref<100000xf32, #tpu.memory_space<vmem>>[vector<16xi32>], vector<16xf32>,
            %add3A_300 = arith.addf %gather3A_299, %get3A_169 : vector<16xf32>
            %add3A_301 = arith.constant 16 : i32
            %add3A_302 = arith.addi %mul3A_294, %add3A_301 : i32
            %get3A_303 = arith.index_cast %add3A_302 : i32 to index
            %get3A_304 = tpu.vector_load %arg11[%get3A_303] {strides = array<i32>} : memref<4096xi32, #tpu.memory_space<vmem>>, vector<16xi32>,
            %gather3A_305 = tpu.vector_load_idx %arg7[%get3A_304] : memref<100000xf32, #tpu.memory_space<vmem>>[vector<16xi32>], vector<16xf32>,
            %add3A_306 = arith.addf %gather3A_305, %get3A_169 : vector<16xf32>
            %add3A_307 = arith.constant 32 : i32
            %add3A_308 = arith.addi %mul3A_294, %add3A_307 : i32
            %get3A_309 = arith.index_cast %add3A_308 : i32 to index
            %get3A_310 = tpu.vector_load %arg11[%get3A_309] {strides = array<i32>} : memref<4096xi32, #tpu.memory_space<vmem>>, vector<16xi32>,
            %gather3A_311 = tpu.vector_load_idx %arg7[%get3A_310] : memref<100000xf32, #tpu.memory_space<vmem>>[vector<16xi32>], vector<16xf32>,
            %add3A_312 = arith.addf %gather3A_311, %get3A_169 : vector<16xf32>
            %add3A_313 = arith.constant 48 : i32
            %add3A_314 = arith.addi %mul3A_294, %add3A_313 : i32
            %get3A_315 = arith.index_cast %add3A_314 : i32 to index
            %get3A_316 = tpu.vector_load %arg11[%get3A_315] {strides = array<i32>} : memref<4096xi32, #tpu.memory_space<vmem>>, vector<16xi32>,
            %gather3A_317 = tpu.vector_load_idx %arg7[%get3A_316] : memref<100000xf32, #tpu.memory_space<vmem>>[vector<16xi32>], vector<16xf32>,
            %add3A_318 = arith.addf %gather3A_317, %get3A_169 : vector<16xf32>
            %add3A_319 = arith.constant 64 : i32
            %add3A_320 = arith.addi %mul3A_294, %add3A_319 : i32
            %get3A_321 = arith.index_cast %add3A_320 : i32 to index
            %get3A_322 = tpu.vector_load %arg11[%get3A_321] {strides = array<i32>} : memref<4096xi32, #tpu.memory_space<vmem>>, vector<16xi32>,
            %gather3A_323 = tpu.vector_load_idx %arg7[%get3A_322] : memref<100000xf32, #tpu.memory_space<vmem>>[vector<16xi32>], vector<16xf32>,
            %add3A_324 = arith.addf %gather3A_323, %get3A_169 : vector<16xf32>
            %add3A_325 = arith.constant 80 : i32
            %add3A_326 = arith.addi %mul3A_294, %add3A_325 : i32
            %get3A_327 = arith.index_cast %add3A_326 : i32 to index
            %get3A_328 = tpu.vector_load %arg11[%get3A_327] {strides = array<i32>} : memref<4096xi32, #tpu.memory_space<vmem>>, vector<16xi32>,
            %gather3A_329 = tpu.vector_load_idx %arg7[%get3A_328] : memref<100000xf32, #tpu.memory_space<vmem>>[vector<16xi32>], vector<16xf32>,
            %add3A_330 = arith.addf %gather3A_329, %get3A_169 : vector<16xf32>
            %add3A_331 = arith.constant 96 : i32
            %add3A_332 = arith.addi %mul3A_294, %add3A_331 : i32
            %get3A_333 = arith.index_cast %add3A_332 : i32 to index
            %get3A_334 = tpu.vector_load %arg11[%get3A_333] {strides = array<i32>} : memref<4096xi32, #tpu.memory_space<vmem>>, vector<16xi32>,
            %gather3A_335 = tpu.vector_load_idx %arg7[%get3A_334] : memref<100000xf32, #tpu.memory_space<vmem>>[vector<16xi32>], vector<16xf32>,
            %add3A_336 = arith.addf %gather3A_335, %get3A_169 : vector<16xf32>
            %add3A_337 = arith.constant 112 : i32
            %add3A_338 = arith.addi %mul3A_294, %add3A_337 : i32
            %get3A_339 = arith.index_cast %add3A_338 : i32 to index
            %get3A_340 = tpu.vector_load %arg11[%get3A_339] {strides = array<i32>} : memref<4096xi32, #tpu.memory_space<vmem>>, vector<16xi32>,
            %gather3A_341 = tpu.vector_load_idx %arg7[%get3A_340] : memref<100000xf32, #tpu.memory_space<vmem>>[vector<16xi32>], vector<16xf32>,
            %add3A_342 = arith.addf %gather3A_341, %get3A_169 : vector<16xf32>
            %add3A_343 = arith.constant 128 : i32
            %add3A_344 = arith.addi %mul3A_294, %add3A_343 : i32
            %get3A_345 = arith.index_cast %add3A_344 : i32 to index
            %get3A_346 = tpu.vector_load %arg11[%get3A_345] {strides = array<i32>} : memref<4096xi32, #tpu.memory_space<vmem>>, vector<16xi32>,
            %gather3A_347 = tpu.vector_load_idx %arg7[%get3A_346] : memref<100000xf32, #tpu.memory_space<vmem>>[vector<16xi32>], vector<16xf32>,
            %add3A_348 = arith.addf %gather3A_347, %get3A_169 : vector<16xf32>
            %add3A_349 = arith.constant 144 : i32
            %add3A_350 = arith.addi %mul3A_294, %add3A_349 : i32
            %get3A_351 = arith.index_cast %add3A_350 : i32 to index
            %get3A_352 = tpu.vector_load %arg11[%get3A_351] {strides = array<i32>} : memref<4096xi32, #tpu.memory_space<vmem>>, vector<16xi32>,
            %gather3A_353 = tpu.vector_load_idx %arg7[%get3A_352] : memref<100000xf32, #tpu.memory_space<vmem>>[vector<16xi32>], vector<16xf32>,
            %add3A_354 = arith.addf %gather3A_353, %get3A_169 : vector<16xf32>
            %add3A_355 = arith.constant 160 : i32
            %add3A_356 = arith.addi %mul3A_294, %add3A_355 : i32
            %get3A_357 = arith.index_cast %add3A_356 : i32 to index
            %get3A_358 = tpu.vector_load %arg11[%get3A_357] {strides = array<i32>} : memref<4096xi32, #tpu.memory_space<vmem>>, vector<16xi32>,
            %gather3A_359 = tpu.vector_load_idx %arg7[%get3A_358] : memref<100000xf32, #tpu.memory_space<vmem>>[vector<16xi32>], vector<16xf32>,
            %add3A_360 = arith.addf %gather3A_359, %get3A_169 : vector<16xf32>
            %add3A_361 = arith.constant 176 : i32
            %add3A_362 = arith.addi %mul3A_294, %add3A_361 : i32
            %get3A_363 = arith.index_cast %add3A_362 : i32 to index
            %get3A_364 = tpu.vector_load %arg11[%get3A_363] {strides = array<i32>} : memref<4096xi32, #tpu.memory_space<vmem>>, vector<16xi32>,
            %gather3A_365 = tpu.vector_load_idx %arg7[%get3A_364] : memref<100000xf32, #tpu.memory_space<vmem>>[vector<16xi32>], vector<16xf32>,
            %add3A_366 = arith.addf %gather3A_365, %get3A_169 : vector<16xf32>
            %add3A_367 = arith.constant 192 : i32
            %add3A_368 = arith.addi %mul3A_294, %add3A_367 : i32
            %get3A_369 = arith.index_cast %add3A_368 : i32 to index
            %get3A_370 = tpu.vector_load %arg11[%get3A_369] {strides = array<i32>} : memref<4096xi32, #tpu.memory_space<vmem>>, vector<16xi32>,
            %gather3A_371 = tpu.vector_load_idx %arg7[%get3A_370] : memref<100000xf32, #tpu.memory_space<vmem>>[vector<16xi32>], vector<16xf32>,
            %add3A_372 = arith.addf %gather3A_371, %get3A_169 : vector<16xf32>
            %add3A_373 = arith.constant 208 : i32
            %add3A_374 = arith.addi %mul3A_294, %add3A_373 : i32
            %get3A_375 = arith.index_cast %add3A_374 : i32 to index
            %get3A_376 = tpu.vector_load %arg11[%get3A_375] {strides = array<i32>} : memref<4096xi32, #tpu.memory_space<vmem>>, vector<16xi32>,
            %gather3A_377 = tpu.vector_load_idx %arg7[%get3A_376] : memref<100000xf32, #tpu.memory_space<vmem>>[vector<16xi32>], vector<16xf32>,
            %add3A_378 = arith.addf %gather3A_377, %get3A_169 : vector<16xf32>
            %add3A_379 = arith.constant 224 : i32
            %add3A_380 = arith.addi %mul3A_294, %add3A_379 : i32
            %get3A_381 = arith.index_cast %add3A_380 : i32 to index
            %get3A_382 = tpu.vector_load %arg11[%get3A_381] {strides = array<i32>} : memref<4096xi32, #tpu.memory_space<vmem>>, vector<16xi32>,
            %gather3A_383 = tpu.vector_load_idx %arg7[%get3A_382] : memref<100000xf32, #tpu.memory_space<vmem>>[vector<16xi32>], vector<16xf32>,
            %add3A_384 = arith.addf %gather3A_383, %get3A_169 : vector<16xf32>
            %add3A_385 = arith.constant 240 : i32
            %add3A_386 = arith.addi %mul3A_294, %add3A_385 : i32
            %get3A_387 = arith.index_cast %add3A_386 : i32 to index
            %get3A_388 = tpu.vector_load %arg11[%get3A_387] {strides = array<i32>} : memref<4096xi32, #tpu.memory_space<vmem>>, vector<16xi32>,
            %gather3A_389 = tpu.vector_load_idx %arg7[%get3A_388] : memref<100000xf32, #tpu.memory_space<vmem>>[vector<16xi32>], vector<16xf32>,
            %add3A_390 = arith.addf %gather3A_389, %get3A_169 : vector<16xf32>
            %sub3A = arith.constant 1 : i32
            %sub3A_391 = arith.subi %scan3A_276, %sub3A : i32
            %mul3A_392 = arith.constant 256 : i32
            %mul3A_393 = arith.muli %sub3A_391, %mul3A_392 : i32
            %add3A_394 = arith.constant 0 : i32
            %add3A_395 = arith.addi %mul3A_393, %add3A_394 : i32
            %swap3A_396 = arith.index_cast %add3A_395 : i32 to index
            %swap3A_397 = tpu.vector_load %arg13[%swap3A_396] {strides = array<i32>} : memref<4096xf32, #tpu.memory_space<vmem>>, vector<16xf32>,
            tpu.vector_store %arg13[%swap3A_396], %scan3A_277 {strides = array<i32>} : memref<4096xf32, #tpu.memory_space<vmem>>, vector<16xf32>,
            %add3A_398 = arith.constant 16 : i32
            %add3A_399 = arith.addi %mul3A_393, %add3A_398 : i32
            %swap3A_400 = arith.index_cast %add3A_399 : i32 to index
            %swap3A_401 = tpu.vector_load %arg13[%swap3A_400] {strides = array<i32>} : memref<4096xf32, #tpu.memory_space<vmem>>, vector<16xf32>,
            tpu.vector_store %arg13[%swap3A_400], %scan3A_278 {strides = array<i32>} : memref<4096xf32, #tpu.memory_space<vmem>>, vector<16xf32>,
            %add3A_402 = arith.constant 32 : i32
            %add3A_403 = arith.addi %mul3A_393, %add3A_402 : i32
            %swap3A_404 = arith.index_cast %add3A_403 : i32 to index
            %swap3A_405 = tpu.vector_load %arg13[%swap3A_404] {strides = array<i32>} : memref<4096xf32, #tpu.memory_space<vmem>>, vector<16xf32>,
            tpu.vector_store %arg13[%swap3A_404], %scan3A_279 {strides = array<i32>} : memref<4096xf32, #tpu.memory_space<vmem>>, vector<16xf32>,
            %add3A_406 = arith.constant 48 : i32
            %add3A_407 = arith.addi %mul3A_393, %add3A_406 : i32
            %swap3A_408 = arith.index_cast %add3A_407 : i32 to index
            %swap3A_409 = tpu.vector_load %arg13[%swap3A_408] {strides = array<i32>} : memref<4096xf32, #tpu.memory_space<vmem>>, vector<16xf32>,
            tpu.vector_store %arg13[%swap3A_408], %scan3A_280 {strides = array<i32>} : memref<4096xf32, #tpu.memory_space<vmem>>, vector<16xf32>,
            %add3A_410 = arith.constant 64 : i32
            %add3A_411 = arith.addi %mul3A_393, %add3A_410 : i32
            %swap3A_412 = arith.index_cast %add3A_411 : i32 to index
            %swap3A_413 = tpu.vector_load %arg13[%swap3A_412] {strides = array<i32>} : memref<4096xf32, #tpu.memory_space<vmem>>, vector<16xf32>,
            tpu.vector_store %arg13[%swap3A_412], %scan3A_281 {strides = array<i32>} : memref<4096xf32, #tpu.memory_space<vmem>>, vector<16xf32>,
            %add3A_414 = arith.constant 80 : i32
            %add3A_415 = arith.addi %mul3A_393, %add3A_414 : i32
            %swap3A_416 = arith.index_cast %add3A_415 : i32 to index
            %swap3A_417 = tpu.vector_load %arg13[%swap3A_416] {strides = array<i32>} : memref<4096xf32, #tpu.memory_space<vmem>>, vector<16xf32>,
            tpu.vector_store %arg13[%swap3A_416], %scan3A_282 {strides = array<i32>} : memref<4096xf32, #tpu.memory_space<vmem>>, vector<16xf32>,
            %add3A_418 = arith.constant 96 : i32
            %add3A_419 = arith.addi %mul3A_393, %add3A_418 : i32
            %swap3A_420 = arith.index_cast %add3A_419 : i32 to index
            %swap3A_421 = tpu.vector_load %arg13[%swap3A_420] {strides = array<i32>} : memref<4096xf32, #tpu.memory_space<vmem>>, vector<16xf32>,
            tpu.vector_store %arg13[%swap3A_420], %scan3A_283 {strides = array<i32>} : memref<4096xf32, #tpu.memory_space<vmem>>, vector<16xf32>,
            %add3A_422 = arith.constant 112 : i32
            %add3A_423 = arith.addi %mul3A_393, %add3A_422 : i32
            %swap3A_424 = arith.index_cast %add3A_423 : i32 to index
            %swap3A_425 = tpu.vector_load %arg13[%swap3A_424] {strides = array<i32>} : memref<4096xf32, #tpu.memory_space<vmem>>, vector<16xf32>,
            tpu.vector_store %arg13[%swap3A_424], %scan3A_284 {strides = array<i32>} : memref<4096xf32, #tpu.memory_space<vmem>>, vector<16xf32>,
            %add3A_426 = arith.constant 128 : i32
            %add3A_427 = arith.addi %mul3A_393, %add3A_426 : i32
            %swap3A_428 = arith.index_cast %add3A_427 : i32 to index
            %swap3A_429 = tpu.vector_load %arg13[%swap3A_428] {strides = array<i32>} : memref<4096xf32, #tpu.memory_space<vmem>>, vector<16xf32>,
            tpu.vector_store %arg13[%swap3A_428], %scan3A_285 {strides = array<i32>} : memref<4096xf32, #tpu.memory_space<vmem>>, vector<16xf32>,
            %add3A_430 = arith.constant 144 : i32
            %add3A_431 = arith.addi %mul3A_393, %add3A_430 : i32
            %swap3A_432 = arith.index_cast %add3A_431 : i32 to index
            %swap3A_433 = tpu.vector_load %arg13[%swap3A_432] {strides = array<i32>} : memref<4096xf32, #tpu.memory_space<vmem>>, vector<16xf32>,
            tpu.vector_store %arg13[%swap3A_432], %scan3A_286 {strides = array<i32>} : memref<4096xf32, #tpu.memory_space<vmem>>, vector<16xf32>,
            %add3A_434 = arith.constant 160 : i32
            %add3A_435 = arith.addi %mul3A_393, %add3A_434 : i32
            %swap3A_436 = arith.index_cast %add3A_435 : i32 to index
            %swap3A_437 = tpu.vector_load %arg13[%swap3A_436] {strides = array<i32>} : memref<4096xf32, #tpu.memory_space<vmem>>, vector<16xf32>,
            tpu.vector_store %arg13[%swap3A_436], %scan3A_287 {strides = array<i32>} : memref<4096xf32, #tpu.memory_space<vmem>>, vector<16xf32>,
            %add3A_438 = arith.constant 176 : i32
            %add3A_439 = arith.addi %mul3A_393, %add3A_438 : i32
            %swap3A_440 = arith.index_cast %add3A_439 : i32 to index
            %swap3A_441 = tpu.vector_load %arg13[%swap3A_440] {strides = array<i32>} : memref<4096xf32, #tpu.memory_space<vmem>>, vector<16xf32>,
            tpu.vector_store %arg13[%swap3A_440], %scan3A_288 {strides = array<i32>} : memref<4096xf32, #tpu.memory_space<vmem>>, vector<16xf32>,
            %add3A_442 = arith.constant 192 : i32
            %add3A_443 = arith.addi %mul3A_393, %add3A_442 : i32
            %swap3A_444 = arith.index_cast %add3A_443 : i32 to index
            %swap3A_445 = tpu.vector_load %arg13[%swap3A_444] {strides = array<i32>} : memref<4096xf32, #tpu.memory_space<vmem>>, vector<16xf32>,
            tpu.vector_store %arg13[%swap3A_444], %scan3A_289 {strides = array<i32>} : memref<4096xf32, #tpu.memory_space<vmem>>, vector<16xf32>,
            %add3A_446 = arith.constant 208 : i32
            %add3A_447 = arith.addi %mul3A_393, %add3A_446 : i32
            %swap3A_448 = arith.index_cast %add3A_447 : i32 to index
            %swap3A_449 = tpu.vector_load %arg13[%swap3A_448] {strides = array<i32>} : memref<4096xf32, #tpu.memory_space<vmem>>, vector<16xf32>,
            tpu.vector_store %arg13[%swap3A_448], %scan3A_290 {strides = array<i32>} : memref<4096xf32, #tpu.memory_space<vmem>>, vector<16xf32>,
            %add3A_450 = arith.constant 224 : i32
            %add3A_451 = arith.addi %mul3A_393, %add3A_450 : i32
            %swap3A_452 = arith.index_cast %add3A_451 : i32 to index
            %swap3A_453 = tpu.vector_load %arg13[%swap3A_452] {strides = array<i32>} : memref<4096xf32, #tpu.memory_space<vmem>>, vector<16xf32>,
            tpu.vector_store %arg13[%swap3A_452], %scan3A_291 {strides = array<i32>} : memref<4096xf32, #tpu.memory_space<vmem>>, vector<16xf32>,
            %add3A_454 = arith.constant 240 : i32
            %add3A_455 = arith.addi %mul3A_393, %add3A_454 : i32
            %swap3A_456 = arith.index_cast %add3A_455 : i32 to index
            %swap3A_457 = tpu.vector_load %arg13[%swap3A_456] {strides = array<i32>} : memref<4096xf32, #tpu.memory_space<vmem>>, vector<16xf32>,
            tpu.vector_store %arg13[%swap3A_456], %scan3A_292 {strides = array<i32>} : memref<4096xf32, #tpu.memory_space<vmem>>, vector<16xf32>,
            scf.yield %add3A_300, %add3A_306, %add3A_312, %add3A_318, %add3A_324, %add3A_330, %add3A_336, %add3A_342, %add3A_348, %add3A_354, %add3A_360, %add3A_366, %add3A_372, %add3A_378, %add3A_384, %add3A_390 : vector<16xf32>, vector<16xf32>, vector<16xf32>, vector<16xf32>, vector<16xf32>, vector<16xf32>, vector<16xf32>, vector<16xf32>, vector<16xf32>, vector<16xf32>, vector<16xf32>, vector<16xf32>, vector<16xf32>, vector<16xf32>, vector<16xf32>, vector<16xf32>
          }
          %scan3A_238 = arith.constant 15 : i32
          %swap3A = arith.constant 3840 : index
          %swap3A_239 = tpu.vector_load %arg13[%swap3A] {strides = array<i32>} : memref<4096xf32, #tpu.memory_space<vmem>>, vector<16xf32>,
          tpu.vector_store %arg13[%swap3A], %scan3A_237#0 {strides = array<i32>} : memref<4096xf32, #tpu.memory_space<vmem>>, vector<16xf32>,
          %swap3A_240 = arith.constant 3856 : index
          %swap3A_241 = tpu.vector_load %arg13[%swap3A_240] {strides = array<i32>} : memref<4096xf32, #tpu.memory_space<vmem>>, vector<16xf32>,
          tpu.vector_store %arg13[%swap3A_240], %scan3A_237#1 {strides = array<i32>} : memref<4096xf32, #tpu.memory_space<vmem>>, vector<16xf32>,
          %swap3A_242 = arith.constant 3872 : index
          %swap3A_243 = tpu.vector_load %arg13[%swap3A_242] {strides = array<i32>} : memref<4096xf32, #tpu.memory_space<vmem>>, vector<16xf32>,
          tpu.vector_store %arg13[%swap3A_242], %scan3A_237#2 {strides = array<i32>} : memref<4096xf32, #tpu.memory_space<vmem>>, vector<16xf32>,
          %swap3A_244 = arith.constant 3888 : index
          %swap3A_245 = tpu.vector_load %arg13[%swap3A_244] {strides = array<i32>} : memref<4096xf32, #tpu.memory_space<vmem>>, vector<16xf32>,
          tpu.vector_store %arg13[%swap3A_244], %scan3A_237#3 {strides = array<i32>} : memref<4096xf32, #tpu.memory_space<vmem>>, vector<16xf32>,
          %swap3A_246 = arith.constant 3904 : index
          %swap3A_247 = tpu.vector_load %arg13[%swap3A_246] {strides = array<i32>} : memref<4096xf32, #tpu.memory_space<vmem>>, vector<16xf32>,
          tpu.vector_store %arg13[%swap3A_246], %scan3A_237#4 {strides = array<i32>} : memref<4096xf32, #tpu.memory_space<vmem>>, vector<16xf32>,
          %swap3A_248 = arith.constant 3920 : index
          %swap3A_249 = tpu.vector_load %arg13[%swap3A_248] {strides = array<i32>} : memref<4096xf32, #tpu.memory_space<vmem>>, vector<16xf32>,
          tpu.vector_store %arg13[%swap3A_248], %scan3A_237#5 {strides = array<i32>} : memref<4096xf32, #tpu.memory_space<vmem>>, vector<16xf32>,
          %swap3A_250 = arith.constant 3936 : index
          %swap3A_251 = tpu.vector_load %arg13[%swap3A_250] {strides = array<i32>} : memref<4096xf32, #tpu.memory_space<vmem>>, vector<16xf32>,
          tpu.vector_store %arg13[%swap3A_250], %scan3A_237#6 {strides = array<i32>} : memref<4096xf32, #tpu.memory_space<vmem>>, vector<16xf32>,
          %swap3A_252 = arith.constant 3952 : index
          %swap3A_253 = tpu.vector_load %arg13[%swap3A_252] {strides = array<i32>} : memref<4096xf32, #tpu.memory_space<vmem>>, vector<16xf32>,
          tpu.vector_store %arg13[%swap3A_252], %scan3A_237#7 {strides = array<i32>} : memref<4096xf32, #tpu.memory_space<vmem>>, vector<16xf32>,
          %swap3A_254 = arith.constant 3968 : index
          %swap3A_255 = tpu.vector_load %arg13[%swap3A_254] {strides = array<i32>} : memref<4096xf32, #tpu.memory_space<vmem>>, vector<16xf32>,
          tpu.vector_store %arg13[%swap3A_254], %scan3A_237#8 {strides = array<i32>} : memref<4096xf32, #tpu.memory_space<vmem>>, vector<16xf32>,
          %swap3A_256 = arith.constant 3984 : index
          %swap3A_257 = tpu.vector_load %arg13[%swap3A_256] {strides = array<i32>} : memref<4096xf32, #tpu.memory_space<vmem>>, vector<16xf32>,
          tpu.vector_store %arg13[%swap3A_256], %scan3A_237#9 {strides = array<i32>} : memref<4096xf32, #tpu.memory_space<vmem>>, vector<16xf32>,
          %swap3A_258 = arith.constant 4000 : index
          %swap3A_259 = tpu.vector_load %arg13[%swap3A_258] {strides = array<i32>} : memref<4096xf32, #tpu.memory_space<vmem>>, vector<16xf32>,
          tpu.vector_store %arg13[%swap3A_258], %scan3A_237#10 {strides = array<i32>} : memref<4096xf32, #tpu.memory_space<vmem>>, vector<16xf32>,
          %swap3A_260 = arith.constant 4016 : index
          %swap3A_261 = tpu.vector_load %arg13[%swap3A_260] {strides = array<i32>} : memref<4096xf32, #tpu.memory_space<vmem>>, vector<16xf32>,
          tpu.vector_store %arg13[%swap3A_260], %scan3A_237#11 {strides = array<i32>} : memref<4096xf32, #tpu.memory_space<vmem>>, vector<16xf32>,
          %swap3A_262 = arith.constant 4032 : index
          %swap3A_263 = tpu.vector_load %arg13[%swap3A_262] {strides = array<i32>} : memref<4096xf32, #tpu.memory_space<vmem>>, vector<16xf32>,
          tpu.vector_store %arg13[%swap3A_262], %scan3A_237#12 {strides = array<i32>} : memref<4096xf32, #tpu.memory_space<vmem>>, vector<16xf32>,
          %swap3A_264 = arith.constant 4048 : index
          %swap3A_265 = tpu.vector_load %arg13[%swap3A_264] {strides = array<i32>} : memref<4096xf32, #tpu.memory_space<vmem>>, vector<16xf32>,
          tpu.vector_store %arg13[%swap3A_264], %scan3A_237#13 {strides = array<i32>} : memref<4096xf32, #tpu.memory_space<vmem>>, vector<16xf32>,
          %swap3A_266 = arith.constant 4064 : index
          %swap3A_267 = tpu.vector_load %arg13[%swap3A_266] {strides = array<i32>} : memref<4096xf32, #tpu.memory_space<vmem>>, vector<16xf32>,
          tpu.vector_store %arg13[%swap3A_266], %scan3A_237#14 {strides = array<i32>} : memref<4096xf32, #tpu.memory_space<vmem>>, vector<16xf32>,
          %swap3A_268 = arith.constant 4080 : index
          %swap3A_269 = tpu.vector_load %arg13[%swap3A_268] {strides = array<i32>} : memref<4096xf32, #tpu.memory_space<vmem>>, vector<16xf32>,
          tpu.vector_store %arg13[%swap3A_268], %scan3A_237#15 {strides = array<i32>} : memref<4096xf32, #tpu.memory_space<vmem>>, vector<16xf32>,
          %dma_start3A_270 = arith.constant 0 : i32
          %dma_start3A_271 = tpu.memref_slice %arg6[%scan3A_113, %add3A_72, %dma_start3A_270] : memref<20x64x4096xf32, #tpu.memory_space<hbm>> -> memref<1x1x4096xf32, #tpu.memory_space<hbm>>
          %dma_start3A_272 = tpu.memref_squeeze %dma_start3A_271 : memref<1x1x4096xf32, #tpu.memory_space<hbm>> -> memref<4096xf32, #tpu.memory_space<hbm>>
          %dma_start3A_273 = arith.constant 0 : i32
          %dma_start3A_274 = tpu.memref_slice %arg6[%scan3A_113, %add3A_72, %dma_start3A_273] : memref<20x64x4096xf32, #tpu.memory_space<hbm>> -> memref<1x1x4096xf32, #tpu.memory_space<hbm>>
          %dma_start3A_275 = tpu.memref_squeeze %dma_start3A_274 : memref<1x1x4096xf32, #tpu.memory_space<hbm>> -> memref<4096xf32, #tpu.memory_space<hbm>>
          tpu.enqueue_dma source(%arg13 : memref<4096xf32, #tpu.memory_space<vmem>>) target(%dma_start3A_275 : memref<4096xf32, #tpu.memory_space<hbm>>) target_semaphore(%arg19 : memref<!tpu.dma_semaphore, #tpu.memory_space<semaphore_mem>>)
        } else {
        }
        %scan3A_151 = arith.constant 0 : i32
        scf.yield %scan3A_151 : i32
      }
      %scan3A_93 = arith.constant 20 : i32
      "tpu.trace_stop"() : () -> ()
      %add3A_94 = arith.constant 1 : i32
      %add3A_95 = arith.addi %scan3A_65, %add3A_94 : i32
      %lt3A = arith.constant 2 : i32
      %lt3A_96 = arith.cmpi slt, %add3A_95, %lt3A : i32
      %convert_element_type3A = arith.extui %lt3A_96 : i1 to i32
      %cond3A = arith.constant 0 : i32
      %cond3A_97 = arith.cmpi ne, %convert_element_type3A, %cond3A : i32
      scf.if %cond3A_97 {
        %add3A_113 = arith.constant 16 : i32
        %add3A_114 = arith.addi %add3A_72, %add3A_113 : i32
        %dma_start3A_115 = arith.constant 0 : i32
        %dma_start3A_116 = tpu.memref_slice %arg4[%add3A_114, %dma_start3A_115] : memref<64x100000xf32, #tpu.memory_space<hbm>> -> memref<1x100000xf32, #tpu.memory_space<hbm>>
        %dma_start3A_117 = tpu.memref_squeeze %dma_start3A_116 : memref<1x100000xf32, #tpu.memory_space<hbm>> -> memref<100000xf32, #tpu.memory_space<hbm>>
        %dma_start3A_118 = arith.constant 0 : i32
        %dma_start3A_119 = tpu.memref_slice %arg4[%add3A_114, %dma_start3A_118] : memref<64x100000xf32, #tpu.memory_space<hbm>> -> memref<1x100000xf32, #tpu.memory_space<hbm>>
        %dma_start3A_120 = tpu.memref_squeeze %dma_start3A_119 : memref<1x100000xf32, #tpu.memory_space<hbm>> -> memref<100000xf32, #tpu.memory_space<hbm>>
        tpu.enqueue_dma source(%dma_start3A_120 : memref<100000xf32, #tpu.memory_space<hbm>>) target(%arg7 : memref<100000xf32, #tpu.memory_space<vmem>>) target_semaphore(%arg16 : memref<!tpu.dma_semaphore, #tpu.memory_space<semaphore_mem>>)
      } else {
      }
      %dma_wait3A_98 = arith.constant 18 : i32
      %dma_wait3A_99 = arith.constant 0 : i32
      %dma_wait3A_100 = tpu.memref_slice %arg6[%dma_wait3A_98, %add3A_72, %dma_wait3A_99] : memref<20x64x4096xf32, #tpu.memory_space<hbm>> -> memref<1x1x4096xf32, #tpu.memory_space<hbm>>
      %dma_wait3A_101 = tpu.memref_squeeze %dma_wait3A_100 : memref<1x1x4096xf32, #tpu.memory_space<hbm>> -> memref<4096xf32, #tpu.memory_space<hbm>>
      %dma_wait3A_102 = arith.constant 0 : i32
      %dma_wait3A_103 = tpu.memref_slice %arg6[%dma_wait3A_98, %add3A_72, %dma_wait3A_102] : memref<20x64x4096xf32, #tpu.memory_space<hbm>> -> memref<1x1x4096xf32, #tpu.memory_space<hbm>>
      %dma_wait3A_104 = tpu.memref_squeeze %dma_wait3A_103 : memref<1x1x4096xf32, #tpu.memory_space<hbm>> -> memref<4096xf32, #tpu.memory_space<hbm>>
      tpu.wait_dma2 semaphore(%arg18 : memref<!tpu.dma_semaphore, #tpu.memory_space<semaphore_mem>>) src(%arg12 : memref<4096xf32, #tpu.memory_space<vmem>>) dst(%dma_wait3A_104 : memref<4096xf32, #tpu.memory_space<hbm>>)
      %dma_wait3A_105 = arith.constant 19 : i32
      %dma_wait3A_106 = arith.constant 0 : i32
      %dma_wait3A_107 = tpu.memref_slice %arg6[%dma_wait3A_105, %add3A_72, %dma_wait3A_106] : memref<20x64x4096xf32, #tpu.memory_space<hbm>> -> memref<1x1x4096xf32, #tpu.memory_space<hbm>>
      %dma_wait3A_108 = tpu.memref_squeeze %dma_wait3A_107 : memref<1x1x4096xf32, #tpu.memory_space<hbm>> -> memref<4096xf32, #tpu.memory_space<hbm>>
      %dma_wait3A_109 = arith.constant 0 : i32
      %dma_wait3A_110 = tpu.memref_slice %arg6[%dma_wait3A_105, %add3A_72, %dma_wait3A_109] : memref<20x64x4096xf32, #tpu.memory_space<hbm>> -> memref<1x1x4096xf32, #tpu.memory_space<hbm>>
      %dma_wait3A_111 = tpu.memref_squeeze %dma_wait3A_110 : memref<1x1x4096xf32, #tpu.memory_space<hbm>> -> memref<4096xf32, #tpu.memory_space<hbm>>
      tpu.wait_dma2 semaphore(%arg19 : memref<!tpu.dma_semaphore, #tpu.memory_space<semaphore_mem>>) src(%arg13 : memref<4096xf32, #tpu.memory_space<vmem>>) dst(%dma_wait3A_111 : memref<4096xf32, #tpu.memory_space<hbm>>)
      %scan3A_112 = arith.constant 0 : i32
      scf.yield %scan3A_112 : i32
    }
    %scan3A_64 = arith.constant 2 : i32
    return
  }
}

</mosaic_0001>

<sc_bundles>
// kernel: _run.3.cloned.1.call-start
scs
__scs_entry_jumppad:
0x0: {  	(pc) =	sbr.rel $0x88, $3  }
0x1: {  	(tag) =	ssettag $0x0;
	lr =	simm.s32 $0x1  }
0x2: {  	[smem:$0x3F9D] =	sst lr;
	_ =	strace $0xD0000000  }
0x3: {  	_ = 	snop  }
0x4: {  	_ = 	snop  }
0x5: {  	_ = 	snop  }
0x6: {  	_ = 	snop  }
0x7: {  	_ = 	snop  }
__scs_overlays_trampoline_lowered:
0x8: {  	[smem:$0x3FAC] =	sst s0  }
0x9: {  	[smem:$0x3FAD] =	sst s1  }
0xa: {  	[smem:$0x3FAE] =	sst s2  }
0xb: {  	[smem:$0x3FAF] =	sst s3  }
0xc: {  	[smem:$0x3FB0] =	sst s4  }
0xd: {  	[smem:$0x3FB1] =	sst s5  }
0xe: {  	[smem:$0x3FB2] =	sst s6  }
0xf: {  	[smem:$0x3FB3] =	sst s7  }
0x10: {  	[smem:$0x3FB4] =	sst s8  }
0x11: {  	[smem:$0x3FB5] =	sst s9;
	s0 =	simm.s32 @!p0 $0x0  }
0x12: {  	s1 =	sld [smem:$0x3F9B];
	s0 =	simm.s32 @p0 $0x1  }
0x13: {  	[smem:$0x3FB6] =	sst s0;
	s0 =	simm.s32 @!p1 $0x0  }
0x14: {  	s2 =	sld [smem:$0x3F9A];
	s0 =	simm.s32 @p1 $0x1  }
0x15: {  	[smem:$0x3FB7] =	sst s0;
	s0 =	simm.s32 @!p2 $0x0  }
0x16: {  	s3 =	sld [smem:$0x3FDB];
	s0 =	simm.s32 @p2 $0x1  }
0x17: {  	s4 =	simm.s32 $0x1BF5;
	[smem:$0x3FB9] =	sst s0  }
0x18: {  	s0 =	sld [smem:$0x3F9C];
	_ =	swait.ge [sflag:s4], $0x0  }
0x19: {  	s7 =	sld [smem:$0x3F9D]  }
0x1a: {  	s8 =	sadd.s32 $0xFFFFE003, lr  }
0x1b: {  	s9 =	sadd.s32 $0xFFFFFEF7, lr;
	s5 =	simm.s32 $0xFFFFFFFF;
	p2 =	slt.u32 s8, $0xFFFFF086  }
0x1c: {  	p1 =	slt.u32 s9, $0xF7A;
	s5 =	simm.s32 @!p2 $0x0  }
0x1d: {  	s5 =	simm.s32 @p1 $0x1;
	p0 =	seq.s32 s7, s2  }
0x1e: {  	s7 =	smul.u32 @!p0 $0xF7A, s2;
	p2 =	seq.s32 @!p0 s5, $0x0  }
0x1f: {  	s9 =	smul.u32 $0xF7A, s1;
	s8 =	simm.s32 @!p0 $0x1BF5;
	p2 =	por !p2, p0  }
0x20: {  	[sflag:s8] =	ssyncset.s32 @!p0 $0xFFFFF086;
	s6 =	sadd.s32 @!p0 s3, s7;
	s7 =	simm.s32 @!p0 $0x108  }
0x21: {  	s3 =	sadd.s32 s3, s9;
	s6 =	sadd.s32 @!p0 $0x88, s6;
	s7 =	simm.s32 @p2 $0x1082  }
0x22: {  	[simem:s7], [sflag:s8] =	dma.local @!p0 [hbm:s6], $0xF7A  }
0x23: {  	s9 =	sor.u32 $0xD0000000, s2;
	s6 =	simm.s32 $0x108;
	_ =	swait.ge @!p0 [sflag:s8], $0x0  }
0x24: {  	s3 =	sadd.s32 $0x88, s3;
	s6 =	simm.s32 @!p1 $0x1082;
	[sflag:s4] =	ssyncset.s32 $0xFFFFF086  }
0x25: {  	[simem:s6], [sflag:s4] =	dma.local [hbm:s3], $0xF7A  }
0x26: {  	[smem:$0x3F9D] =	sst s1;
	(tag) =	ssettag s2;
	_ =	strace s9  }
0x27: {  	s1 =	sld [smem:$0x3FAD]  }
0x28: {  	s2 =	sld [smem:$0x3FAE]  }
0x29: {  	s4 =	sld [smem:$0x3FB0]  }
0x2a: {  	p0 =	seq.s32 s5, $0x0;
	s5 =	sld [smem:$0x3FB1]  }
0x2b: {  	s6 =	sld [smem:$0x3FB2]  }
0x2c: {  	s7 =	sld [smem:$0x3FB3]  }
0x2d: {  	s3 =	simm.s32 $0x108;
	s8 =	sld [smem:$0x3FB4]  }
0x2e: {  	s3 =	simm.s32 @!p0 $0x1082;
	s9 =	sld [smem:$0x3FB5]  }
0x2f: {  	lr =	sadd.s32 s0, s3;
	s0 =	sld [smem:$0x3FAC]  }
0x30: {  	s3 =	sld [smem:$0x3FAF]  }
0x31: {  	[smem:$0x3FB8] =	sst s10  }
0x32: {  	s10 =	sld [smem:$0x3FB6];
	_ =	sdelay $0x3  }
0x33: {  	p0 =	seq.s32 s10, $0x1;
	s10 =	sld [smem:$0x3FB8];
	_ =	sdelay $0x3  }
0x34: {  	[smem:$0x3FB8] =	sst s10  }
0x35: {  	s10 =	sld [smem:$0x3FB7];
	_ =	sdelay $0x3  }
0x36: {  	p1 =	seq.s32 s10, $0x1;
	s10 =	sld [smem:$0x3FB8];
	_ =	sdelay $0x3  }
0x37: {  	[smem:$0x3FB8] =	sst s10  }
0x38: {  	s10 =	sld [smem:$0x3FB9]  }
0x39: {  	_ = 	snop;
	(pc) =	sbr.ind lr, $3  }
0x3a: {  	_ = 	snop  }
0x3b: {  	_ = 	snop  }
0x3c: {  	p2 =	seq.s32 s10, $0x1;
	s10 =	sld [smem:$0x3FB8]  }
0x3d: {  	_ =	shalt  }
0x3e: {  	_ =	shalt  }
0x3f: {  	_ =	shalt  }
0x40: {  	_ =	shalt  }
0x41: {  	_ =	shalt  }
0x42: {  	_ =	shalt  }
0x43: {  	_ =	shalt  }
0x44: {  	_ =	shalt  }
0x45: {  	_ =	shalt  }
0x46: {  	_ =	shalt  }
0x47: {  	_ =	shalt  }
0x48: {  	_ =	shalt  }
0x49: {  	_ =	shalt  }
0x4a: {  	_ =	shalt  }
0x4b: {  	_ =	shalt  }
0x4c: {  	_ =	shalt  }
0x4d: {  	_ =	shalt  }
0x4e: {  	_ =	shalt  }
0x4f: {  	_ =	shalt  }
0x50: {  	_ =	shalt  }
0x51: {  	_ =	shalt  }
0x52: {  	_ =	shalt  }
0x53: {  	_ =	shalt  }
0x54: {  	_ =	shalt  }
0x55: {  	_ =	shalt  }
0x56: {  	_ =	shalt  }
0x57: {  	_ =	shalt  }
0x58: {  	_ =	shalt  }
0x59: {  	_ =	shalt  }
0x5a: {  	_ =	shalt  }
0x5b: {  	_ =	shalt  }
0x5c: {  	_ =	shalt  }
0x5d: {  	_ =	shalt  }
0x5e: {  	_ =	shalt  }
0x5f: {  	_ =	shalt  }
0x60: {  	_ =	shalt  }
0x61: {  	_ =	shalt  }
0x62: {  	_ =	shalt  }
0x63: {  	_ =	shalt  }
0x64: {  	_ =	shalt  }
0x65: {  	_ =	shalt  }
0x66: {  	_ =	shalt  }
0x67: {  	_ =	shalt  }
0x68: {  	_ =	shalt  }
0x69: {  	_ =	shalt  }
0x6a: {  	_ =	shalt  }
0x6b: {  	_ =	shalt  }
0x6c: {  	_ =	shalt  }
0x6d: {  	_ =	shalt  }
0x6e: {  	_ =	shalt  }
0x6f: {  	_ =	shalt  }
0x70: {  	_ =	shalt  }
0x71: {  	_ =	shalt  }
0x72: {  	_ =	shalt  }
0x73: {  	_ =	shalt  }
0x74: {  	_ =	shalt  }
0x75: {  	_ =	shalt  }
0x76: {  	_ =	shalt  }
0x77: {  	_ =	shalt  }
0x78: {  	_ =	shalt  }
0x79: {  	_ =	shalt  }
0x7a: {  	_ =	shalt  }
0x7b: {  	_ =	shalt  }
0x7c: {  	_ =	shalt  }
0x7d: {  	_ =	shalt  }
0x7e: {  	_ =	shalt  }
0x7f: {  	_ =	shalt  }
0x80: {  	_ =	shalt  }
0x81: {  	_ =	shalt  }
0x82: {  	_ =	shalt  }
0x83: {  	_ =	shalt  }
0x84: {  	_ =	shalt  }
0x85: {  	_ =	shalt  }
0x86: {  	_ =	shalt  }
0x87: {  	_ =	shalt  }
.Lfunc_end0:
.L_simem_size_0:
called_computation_lowered:
.L_overlay_start_0:
0x88: {  	s2 =	sld [smem:$0x3FD9]  }
0x89: {  	s3 =	sld [smem:$0x3FFE];
	_ =	sdelay $0x1  }
0x8a: {  	s1 =	srdreg.scid  }
0x8b: {  	s0 =	sand.u32 $0x1, s1  }
0x8c: {  	s18 =	sshll.u32 s0, $0xA;
	s2 =	sadd.s32 s3, s2  }
0x8d: {  	s2 =	sadd.s32 s2, s18  }
0x8e: {  	[smem:$0x3FC4] =	sst s2  }
0x8f: {  	_ = 	snop  }
0x90: {  	s2 =	sld [smem:$0x3FC9]  }
0x91: {  	s19 =	sld [smem:$0x3FC8]  }
0x92: {  	s4 =	sld [smem:$0x3FC7]  }
0x93: {  	s5 =	sld [smem:$0x3FC6]  }
0x94: {  	s6 =	sld [smem:$0x3FD0];
	(tm) =	ssettm $0x1  }
0x95: {  	s7 =	sld [smem:$0x3FFB];
	_ =	sdelay $0x3  }
0x96: {  	_ =	strace s7  }
0x97: {  	s7 =	sld [smem:$0x3FFC];
	_ =	sdelay $0x3  }
0x98: {  	_ =	strace s7  }
0x99: {  	s7 =	sld [smem:$0x3FFD];
	_ =	sdelay $0x3  }
0x9a: {  	_ =	strace s7  }
0x9b: {  	_ =	strace $0x8FFFFFFF  }
0x9c: {  	s20 =	sld [smem:$0x3FDB];
	_ =	sdelay $0x1  }
0x9d: {  	s8 =	simm.s32 $_scs_section_size  }
0x9e: {  	s9 =	simm.s32 $_size__tile_overlayer_lowered;
	s10 =	simm.s32 $_tile_overlayer_lowered  }
0x9f: {  	s23 =	simm.s32 $0x1BFF;
	s22 =	sshll.u32 s10, $0x1;
	s7 =	sadd.s32 s8, s20  }
0xa0: {  	s11 =	simm.s32 $0x0;
	s21 =	sshll.u32 s9, $0x1;
	s9 =	sadd.s32 s22, s7  }
0xa1: {  	[timem:s11], [sflag:s23] =	dma.local [hbm:s9], s21  }
0xa2: {  	_ =	swait.ge [sflag:s23], s21  }
0xa3: {  	s8 =	ssub.s32 $0x0, s21;
	[sflag:s23] =	ssyncset.done $0x0  }
0xa4: {  	[sflag:s23] =	ssyncadd.s32 s8;
	_ =	sdelay $0x1  }
0xa5: {  	s24 =	simm.s32 $0x1B8B  }
0xa6: {  	_ =	swait.ge [sflag:s24], $0x1  }
0xa7: {  	[sflag:s24] =	ssyncset.done $0x0  }
0xa8: {  	s25 =	simm.s32 $0x1B8E;
	[sflag:s24] =	ssyncadd.s32 $0xFFFFFFFF  }
0xa9: {  	s26 =	simm.s32 $execute0_lowered;
	[smem:$0x3FD2] =	sst s25  }
0xaa: {  	s8 =	sshll.u32 s26, $0x1;
	_ =	strace $0x80000046;
	[dreg:$0x1] =	wrdreg $0xFFFFFFFF  }
0xab: {  	s28 =	simm.s32 $_size_execute0_lowered;
	s7 =	sadd.s32 s7, s8;
	[dreg:$0x0] =	wrdreg $0x0  }
0xac: {  	s8 =	sshll.u32 s28, $0x1;
	[dreg:$0x2] =	wrdreg s7  }
0xad: {  	[dreg:$0x3] =	wrdreg s8  }
0xae: {  	[dreg:$0x4] =	wrdreg $0xC0  }
0xaf: {  	_ =	task [dreg:s11], $0x5FFFF  }
0xb0: {  	[dreg:$0x1] =	wrdreg $0xFFFFFFFF  }
0xb1: {  	[dreg:$0x0] =	wrdreg $0x60  }
0xb2: {  	[dreg:$0x2] =	wrdreg s2  }
0xb3: {  	[dreg:$0x3] =	wrdreg s19  }
0xb4: {  	[dreg:$0x4] =	wrdreg s4  }
0xb5: {  	[dreg:$0x5] =	wrdreg s5  }
0xb6: {  	[dreg:$0x6] =	wrdreg s6  }
0xb7: {  	[dreg:$0x7] =	wrdreg $0x1E6800  }
0xb8: {  	[dreg:$0x8] =	wrdreg $0x9  }
0xb9: {  	_ =	task.clear_ibuf [dreg:s11], $0x9FFFF;
	_ =	strace $0x90000046  }
0xba: {  	s29 =	simm.s32 $0x9;
	_ =	strace $0x8000004D  }
0xbb: {  	_ =	swait.ge [sflag:s29], $0x1  }
0xbc: {  	[sflag:s29] =	ssyncadd.s32 $0xFFFFFFFF  }
0xbd: {  	_ =	strace $0x9000004D  }
0xbe: {  	_ =	sfence  }
0xbf: {  	s30 =	sld [smem:$0x0];
	_ =	sdelay $0x2  }
0xc0: {  	s31 =	sshll.u32 s1, $0xD;
	s1 =	sshrl.u32 s1, $0x2  }
0xc1: {  	s3 =	sand.u32 $0x4000, s31;
	s1 =	sadd.s32 s1, s30  }
0xc2: {  	s0 =	sor.u32 s3, s0;
	s1 =	sshll.u32 s1, $0x11  }
0xc3: {  	s0 =	sor.u32 s1, s0  }
0xc4: {  	s0 =	sadd.s32 $0x8F2B, s0  }
0xc5: {  	[sflag:s0] =	ssyncadd.remote.s32 $0x1  }
0xc6: {  	_ =	sfence.sel $0xFFFF  }
0xc7: {  	[dreg:$0x0] =	wrdreg $0xFFFFFFFF;
	(pc) =	sbr.abs _section_cstart, $3  }
0xc8: {  	[dreg:$0x1] =	wrdreg $0xFFFFFFFF  }
0xc9: {  	_ =	task.clear_ibuf [dreg:s11], $0x2FFFF;
	_ =	strace $0x9FFFFFFF  }
0xca: {  	(tm) =	ssettm $0x7FFFFFFF  }
0xcb: {  	_ =	shalt  }
tec
execute0_lowered:
.L_overlay_start_1:
0x0: {  	(tag) =	ssettag $0x1  }
0x1: {  	s0 =	rddreg [dreg:$0x0]  }
0x2: {  	s1 =	rddreg [dreg:$0x2]  }
0x3: {  	s2 =	rddreg [dreg:$0x3]  }
0x4: {  	s3 =	rddreg [dreg:$0x4]  }
0x5: {  	s4 =	rddreg [dreg:$0x5]  }
0x6: {  	s5 =	srdreg.scid;
	s6 =	simm.s32 $0x0;
	s12 =	stileid.u32  }
0x7: {  	s17 =	simm.s32 $0x1A500;
	s18 =	simm.s32 $0x6;
	s19 =	simm.s32 $0xA00  }
0x8: {  	s28 =	simm.s32 $0x1;
	s29 =	simm.s32 $0x1E500;
	s30 =	simm.s32 $0x4  }
0x9: {  	s31 =	simm.s32 $0x1D500;
	s5 =	sand.u32 $0x1, s5;
	[smem:$0x7FF] =	sst s6  }
0xa: {  	s9 =	smul.u32 $0x1400, s12;
	s20 =	sshll.u32 s12, $0x7;
	s7 =	sshll.u32 s5, $0x5  }
0xb: {  	s5 =	ssub.s32 $0x2, s5;
	_ =	strace $0x80000047;
	s7 =	sor.u32 s12, s7  }
0xc: {  	s10 =	sshrl.u32 s5, $0x1;
	s21 =	sshrl.u32 s9, $0x3;
	s22 =	sadd.s32 $0xA00, s9  }
0xd: {  	s9 =	sadd.s32 s9, s4;
	s8 =	sshrl.u32 s7, $0x3;
	s5 =	ssub.s32 s5, s10  }
0xe: {  	s10 =	sadd.s32 s0, s21;
	s23 =	sshrl.u32 s22, $0x3;
	[dreg:$0xa] =	wrdreg s9  }
0xf: {  	s26 =	sadd.s32 s22, s4;
	s21 =	simm.s32 $0x5;
	s22 =	simm.s32 $0x80  }
0x10: {  	s9 =	simm.s32 $0x0;
	s11 =	smul.u32 $0xC3800, s8;
	[dreg:$0x7] =	wrdreg s10  }
0x11: {  	s8 =	sand.u32 $0x380, s20;
	s0 =	sadd.s32 s0, s23;
	[dreg:$0xb] =	wrdreg s26  }
0x12: {  	s15 =	smax.u32 s5, $0x1;
	s20 =	simm.s32 $0x19100;
	s23 =	simm.s32 $0x400  }
.Ltmp0:
0x13: {  	s26 =	simm.s32 $0x7;
	s11 =	sor.u32 s8, s11;
	(pc) =	sbr.rel .LBB2_1-.Ltmp0, $4  }
0x14: {  	s5 =	simm.s32 $0x1B500;
	s13 =	sshrl.u32 s11, $0x3;
	s25 =	sadd.s32 $0x187000, s11  }
0x15: {  	[dreg:$0x8] =	wrdreg s0;
	s24 =	sadd.s32 s1, s13;
	s0 =	sshrl.u32 s25, $0x3  }
0x16: {  	s25 =	simm.s32 $0x19B00;
	[dreg:$0x9] =	wrdreg s24;
	s14 =	sadd.s32 s1, s0  }
0x17: {  	s24 =	simm.s32 $0x2;
	s0 =	simm.s32 $0x3;
	s1 =	simm.s32 $0x1C500  }
.LBB2_15:
0x18: {  	s9 =	sadd.s32 $0x1, s9  }
0x19: {  	_ =	swait.ge [sflag:s0], $0x1000;
	p0 =	sne.s32 s9, s15  }
.Ltmp1:
0x1a: {  	[sflag:s0] =	ssyncset.done $0x0;
	(pc) =	sbr.rel @!p0 .LBB2_16-.Ltmp1, $4  }
0x1b: {  	[sflag:s0] =	ssyncadd.s32 $0xFFFFF000  }
0x1c: {  	_ =	swait.ge [sflag:s30], $0x1000  }
0x1d: {  	[sflag:s30] =	ssyncset.done $0x0  }
0x1e: {  	[sflag:s30] =	ssyncadd.s32 $0xFFFFF000  }
.LBB2_1:
0x1f: {  	_ =	strace $0x80000048  }
0x20: {  	s11 =	simm.s32 $0x18700;
	s10 =	rddreg [dreg:$0x7]  }
0x21: {  	[tilespmem:s11], [sflag:$0x6] =	stream.linear.gather [hbm4b:s10+s6], $0xA00, $0x200038;
	[tilespmem:$0x1FA80] =	vst v63  }
0x22: {  	s13 =	rddreg [dreg:$0x8]  }
0x23: {  	[tilespmem:s17], [sflag:$0x2] =	stream.linear.gather [hbm4b:s13+s6], $0xA00, $0x200038;
	[tilespmem:$0x1FA80] =	vst v63  }
0x24: {  	_ =	swait.ge [sflag:s18], $0xA00  }
0x25: {  	[sflag:s18] =	ssyncset.done $0x0  }
0x26: {  	[sflag:s18] =	ssyncadd.s32 $0xFFFFF600  }
0x27: {  	s16 =	rddreg [dreg:$0x1]  }
0x28: {  	[tilespmem:s20], [sflag:$0x5] =	stream.indirect.gather [hbm4b:s16+s19], $0x1, s11, s19, $0x2000b8;
	[tilespmem:$0x1FA80] =	vst v63  }
0x29: {  	_ =	swait.ge [sflag:s21], $0xA00  }
0x2a: {  	[sflag:s21] =	ssyncset.done $0x0  }
0x2b: {  	s12 =	rddreg [dreg:$0x9];
	[sflag:s21] =	ssyncadd.s32 $0xFFFFF600  }
0x2c: {  	[tilespmem:s6], [sflag:$0x1] =	stream.strided.gather [hbm4b:s12+s22], $0x18700, s23, s22, $0x200038;
	[tilespmem:$0x1FA80] =	vst v63  }
0x2d: {  	_ =	strace $0x90000048  }
0x2e: {  	_ =	strace $0x80000049  }
0x2f: {  	_ =	swait.ge [sflag:s24], $0xA00  }
0x30: {  	[sflag:s24] =	ssyncset.done $0x0  }
0x31: {  	[sflag:s24] =	ssyncadd.s32 $0xFFFFF600  }
0x32: {  	[tilespmem:s25], [sflag:$0x5] =	stream.indirect.gather [hbm4b:s16+s19], $0x1, s17, s19, $0x2000b8;
	[tilespmem:$0x1FA80] =	vst v63  }
0x33: {  	s13 =	rddreg [dreg:$0xa]  }
0x34: {  	[spmem:s13] =	stream.linear.scatter [tilespmem:s20], [sflag:$0x6], $0xA00, $0x200038;
	[tilespmem:$0x1FA80] =	vst v63  }
0x35: {  	_ =	swait.ge [sflag:s21], $0xA00  }
0x36: {  	[sflag:s21] =	ssyncset.done $0x0  }
0x37: {  	s16 =	rddreg [dreg:$0xb];
	[sflag:s21] =	ssyncadd.s32 $0xFFFFF600  }
0x38: {  	[spmem:s16] =	stream.linear.scatter [tilespmem:s25], [sflag:$0x7], $0xA00, $0x200038;
	[tilespmem:$0x1FA80] =	vst v63  }
0x39: {  	_ =	swait.ge [sflag:s26], $0xA00  }
0x3a: {  	[sflag:s26] =	ssyncset.done $0x0  }
0x3b: {  	[sflag:s26] =	ssyncadd.s32 $0xFFFFF600  }
0x3c: {  	_ =	swait.ge [sflag:s18], $0xA00  }
0x3d: {  	[sflag:s18] =	ssyncset.done $0x0  }
0x3e: {  	[sflag:s18] =	ssyncadd.s32 $0xFFFFF600  }
0x3f: {  	_ =	strace $0x90000049  }
0x40: {  	_ =	strace $0x8000004A  }
0x41: {  	[bflag:$0x0] =	sbarrier.arrive $0xFFFF  }
0x42: {  	p0 =	por $0x1, $0x1;
	s10 =	simm.s32 $0x0;
	_ =	strace $0x9000004A  }
.LBB2_2:
0x43: {  	_ =	strace $0x8000004B  }
0x44: {  	s11 =	sor.u32 s7, s10;
	_ =	swait.ge [sflag:s28], $0x18700  }
0x45: {  	s10 =	smul.u32 $0x28, s11;
	[sflag:s28] =	ssyncset.done $0x0  }
0x46: {  	[sflag:s28] =	ssyncadd.s32 $0xFFFE7900  }
0x47: {  	s12 =	sadd.s32 s2, s10;
	s10 =	simm.s32 $0x0;
	_ =	strace $0x9000004B  }
0x48: {  	[tilespmem:s29], [sflag:$0x7] =	stream.linear.gather [hbm4b:s12+s10], $0x140, $0x38;
	[tilespmem:$0x1FA80] =	vst v63  }
.Ltmp2:
0x49: {  	_ =	swait.ge [sflag:s26], $0x140;
	(pc) =	sbr.rel .LBB2_3-.Ltmp2, $4  }
0x4a: {  	s11 =	sshll.u32 s11, $0xC;
	[sflag:s26] =	ssyncset.done $0x0  }
0x4b: {  	s11 =	sand.u32 $0x38000, s11;
	[sflag:s26] =	ssyncadd.s32 $0xFFFFFEC0  }
0x4c: {  	[tilespmem:s17], [sflag:$0x2] =	stream.linear.gather [spmem:s4], $0x1000, $0x38;
	[tilespmem:$0x1FA80] =	vst v63  }
0x4d: {  	s11 =	sor.u32 s8, s11;
	_ =	strace $0x8000004C  }
.LBB2_11:
0x4e: {  	[tilespmem:$0x1E400] =	vst v26  }
0x4f: {  	[tilespmem:$0x1E410] =	vst v24  }
0x50: {  	[tilespmem:$0x1E420] =	vst v22  }
0x51: {  	[tilespmem:$0x1E430] =	vst v21  }
0x52: {  	[tilespmem:$0x1E440] =	vst v20  }
0x53: {  	[tilespmem:$0x1E450] =	vst v19  }
0x54: {  	[tilespmem:$0x1E460] =	vst v18  }
0x55: {  	[tilespmem:$0x1E470] =	vst v17  }
0x56: {  	[tilespmem:$0x1E480] =	vst v15  }
0x57: {  	[tilespmem:$0x1E490] =	vst v13  }
0x58: {  	[tilespmem:$0x1E4A0] =	vst v11  }
0x59: {  	[tilespmem:$0x1E4B0] =	vst v9  }
0x5a: {  	[tilespmem:$0x1E4C0] =	vst v7;
	s12 =	sshll.u32 s10, $0x12  }
0x5b: {  	[tilespmem:$0x1E4D0] =	vst v5;
	s12 =	sor.u32 s11, s12  }
0x5c: {  	[tilespmem:$0x1E4E0] =	vst v2;
	s12 =	sshrl.u32 s12, $0x3  }
0x5d: {  	[tilespmem:$0x1E4F0] =	vst v1;
	s12 =	sadd.s32 s3, s12  }
0x5e: {  	[hbm4b:s12+s22] =	stream.strided.scatter [tilespmem:s31], [sflag:$0x4], $0x1000, s23, s22, $0x200038;
	[tilespmem:$0x1FA80] =	vst v63  }
.LBB2_12:
0x5f: {  	s10 =	sadd.s32 $0x1, s10  }
0x60: {  	p1 =	sne.s32 s10, $0x14  }
.Ltmp3:
0x61: {  	_ = 	snop;
	(pc) =	sbr.rel @!p1 .LBB2_13-.Ltmp3, $1  }
0x62: {  	_ =	sdelay $0x3  }
.LBB2_3:
0x63: {  	s16 =	sand.u32 $0x1, s10  }
0x64: {  	p1 =	seq.s32 s16, $0x1  }
.Ltmp4:
0x65: {  	_ = 	snop;
	(pc) =	sbr.rel @p1 .LBB2_8-.Ltmp4, $1  }
0x66: {  	_ =	sdelay $0x3  }
0x67: {  	s12 =	sshll.u32 s10, $0xC  }
0x68: {  	_ =	swait.ge [sflag:s24], $0x1000;
	s12 =	sand.u32 $0x3FFFF000, s12  }
0x69: {  	[sflag:s24] =	ssyncset.done $0x0;
	s12 =	sadd.s32 s12, s4  }
0x6a: {  	p1 =	slt.u32 s10, $0x2;
	[sflag:s24] =	ssyncadd.s32 $0xFFFFF000;
	s12 =	sadd.s32 $0x1000, s12  }
0x6b: {  	[tilespmem:s5], [sflag:$0x2] =	stream.linear.gather [spmem:s12], $0x1000, $0x200038;
	[tilespmem:$0x1FA80] =	vst v63  }
0x6c: {  	s12 =	simm.s32 @!p1 $0x3  }
0x6d: {  	_ =	swait.ge @!p1 [sflag:s12], $0x1000  }
0x6e: {  	s13 =	sshll.u32 s10, $0x4;
	[sflag:s12] =	ssyncset.done @!p1 $0x0  }
0x6f: {  	s13 =	sand.u32 $0x3FFFFFF0, s13;
	[sflag:s12] =	ssyncadd.s32 @!p1 $0xFFFFF000  }
0x70: {  	v0 =	vld [tilespmem:s13+$0x1E500]  }
0x71: {  	v1 =	vld [tilespmem:$0x1A500]  }
0x72: {  	v2 =	vld [tilespmem:$0x1A510]  }
0x73: {  	v5 =	vld [tilespmem:$0x1A520]  }
0x74: {  	v7 =	vld [tilespmem:$0x1A530]  }
0x75: {  	v9 =	vld [tilespmem:$0x1A540]  }
0x76: {  	v11 =	vld [tilespmem:$0x1A550]  }
0x77: {  	v13 =	vld [tilespmem:$0x1A560]  }
0x78: {  	s12 =	simm.s32 $0x0;
	v15 =	vld [tilespmem:$0x1A570]  }
0x79: {  	v3 =	vld.idx.msk [tilespmem:v1+s12+$0x0], $0xffff  }
0x7a: {  	v4 =	vld.idx.msk [tilespmem:v2+s12+$0x0], $0xffff  }
0x7b: {  	v6 =	vld.idx.msk [tilespmem:v5+s12+$0x0], $0xffff  }
0x7c: {  	v8 =	vld.idx.msk [tilespmem:v7+s12+$0x0], $0xffff  }
0x7d: {  	v10 =	vld.idx.msk [tilespmem:v9+s12+$0x0], $0xffff  }
0x7e: {  	v12 =	vld.idx.msk [tilespmem:v11+s12+$0x0], $0xffff  }
0x7f: {  	v14 =	vld.idx.msk [tilespmem:v13+s12+$0x0], $0xffff  }
0x80: {  	v16 =	vld.idx.msk [tilespmem:v15+s12+$0x0], $0xffff  }
0x81: {  	v1 =	vld [tilespmem:$0x1A580]  }
0x82: {  	v2 =	vld [tilespmem:$0x1A590]  }
0x83: {  	v5 =	vld [tilespmem:$0x1A5A0]  }
0x84: {  	v7 =	vld [tilespmem:$0x1A5B0]  }
0x85: {  	v9 =	vld [tilespmem:$0x1A5C0]  }
0x86: {  	v11 =	vld [tilespmem:$0x1A5D0]  }
0x87: {  	v13 =	vld [tilespmem:$0x1A5E0]  }
0x88: {  	v15 =	vld [tilespmem:$0x1A5F0]  }
0x89: {  	v23 =	vld.idx.msk [tilespmem:v1+s12+$0x0], $0xffff  }
0x8a: {  	v25 =	vld.idx.msk [tilespmem:v2+s12+$0x0], $0xffff  }
0x8b: {  	v27 =	vld.idx.msk [tilespmem:v5+s12+$0x0], $0xffff  }
0x8c: {  	v28 =	vld.idx.msk [tilespmem:v7+s12+$0x0], $0xffff  }
0x8d: {  	v29 =	vld.idx.msk [tilespmem:v9+s12+$0x0], $0xffff  }
0x8e: {  	v30 =	vld.idx.msk [tilespmem:v11+s12+$0x0], $0xffff  }
0x8f: {  	v31 =	vld.idx.msk [tilespmem:v13+s12+$0x0], $0xffff  }
0x90: {  	v32 =	vld.idx.msk [tilespmem:v15+s12+$0x0], $0xffff  }
.LBB2_5:
0x91: {  	v9 =	vadd.f32 v28, v0;
	v11 =	vadd.f32 v27, v0  }
0x92: {  	v13 =	vadd.f32 v25, v0;
	v15 =	vadd.f32 v23, v0  }
0x93: {  	v17 =	vadd.f32 v16, v0;
	v18 =	vadd.f32 v14, v0;
	p1 =	seq.s32 s12, $0x3C00  }
.Ltmp5:
0x94: {  	v19 =	vadd.f32 v12, v0;
	v20 =	vadd.f32 v10, v0;
	(pc) =	sbr.rel @p1 .LBB2_7-.Ltmp5, $4  }
0x95: {  	v21 =	vadd.f32 v8, v0;
	v22 =	vadd.f32 v6, v0  }
0x96: {  	v24 =	vadd.f32 v4, v0;
	v26 =	vadd.f32 v3, v0  }
0x97: {  	v7 =	vadd.f32 v29, v0;
	v5 =	vadd.f32 v30, v0  }
0x98: {  	v2 =	vadd.f32 v31, v0;
	v1 =	vadd.f32 v32, v0  }
0x99: {  	s13 =	sshra.s32 s12, $0x2  }
0x9a: {  	v3 =	vld [tilespmem:s13+$0x1A600]  }
0x9b: {  	v4 =	vld [tilespmem:s13+$0x1A610]  }
0x9c: {  	v6 =	vld [tilespmem:s13+$0x1A620]  }
0x9d: {  	v8 =	vld [tilespmem:s13+$0x1A630]  }
0x9e: {  	v10 =	vld [tilespmem:s13+$0x1A640]  }
0x9f: {  	v12 =	vld [tilespmem:s13+$0x1A650]  }
0xa0: {  	v14 =	vld [tilespmem:s13+$0x1A660]  }
0xa1: {  	v16 =	vld [tilespmem:s13+$0x1A670]  }
0xa2: {  	v23 =	vld [tilespmem:s13+$0x1A680]  }
0xa3: {  	v25 =	vld [tilespmem:s13+$0x1A690]  }
0xa4: {  	v27 =	vld [tilespmem:s13+$0x1A6A0]  }
0xa5: {  	v28 =	vld [tilespmem:s13+$0x1A6B0]  }
0xa6: {  	v29 =	vld [tilespmem:s13+$0x1A6C0]  }
0xa7: {  	v30 =	vld [tilespmem:s13+$0x1A6D0]  }
0xa8: {  	v31 =	vld [tilespmem:s13+$0x1A6E0]  }
0xa9: {  	v32 =	vld [tilespmem:s13+$0x1A6F0]  }
0xaa: {  	v3 =	vld.idx.msk [tilespmem:v3+s6+$0x0], $0xffff  }
0xab: {  	v4 =	vld.idx.msk [tilespmem:v4+s6+$0x0], $0xffff  }
0xac: {  	v6 =	vld.idx.msk [tilespmem:v6+s6+$0x0], $0xffff  }
0xad: {  	v8 =	vld.idx.msk [tilespmem:v8+s6+$0x0], $0xffff  }
0xae: {  	v10 =	vld.idx.msk [tilespmem:v10+s6+$0x0], $0xffff  }
0xaf: {  	v12 =	vld.idx.msk [tilespmem:v12+s6+$0x0], $0xffff  }
0xb0: {  	v14 =	vld.idx.msk [tilespmem:v14+s6+$0x0], $0xffff  }
0xb1: {  	v16 =	vld.idx.msk [tilespmem:v16+s6+$0x0], $0xffff  }
0xb2: {  	v23 =	vld.idx.msk [tilespmem:v23+s6+$0x0], $0xffff  }
0xb3: {  	v25 =	vld.idx.msk [tilespmem:v25+s6+$0x0], $0xffff  }
0xb4: {  	v27 =	vld.idx.msk [tilespmem:v27+s6+$0x0], $0xffff  }
0xb5: {  	v28 =	vld.idx.msk [tilespmem:v28+s6+$0x0], $0xffff  }
0xb6: {  	v29 =	vld.idx.msk [tilespmem:v29+s6+$0x0], $0xffff  }
0xb7: {  	v30 =	vld.idx.msk [tilespmem:v30+s6+$0x0], $0xffff  }
0xb8: {  	v31 =	vld.idx.msk [tilespmem:v31+s6+$0x0], $0xffff  }
0xb9: {  	v32 =	vld.idx.msk [tilespmem:v32+s6+$0x0], $0xffff;
	[tilespmem:s13+$0x1C500] =	vst v26  }
0xba: {  	[tilespmem:s13+$0x1C510] =	vst v24  }
0xbb: {  	[tilespmem:s13+$0x1C520] =	vst v22  }
0xbc: {  	[tilespmem:s13+$0x1C530] =	vst v21  }
0xbd: {  	[tilespmem:s13+$0x1C540] =	vst v20  }
0xbe: {  	[tilespmem:s13+$0x1C550] =	vst v19  }
0xbf: {  	[tilespmem:s13+$0x1C560] =	vst v18  }
0xc0: {  	[tilespmem:s13+$0x1C570] =	vst v17  }
0xc1: {  	[tilespmem:s13+$0x1C580] =	vst v15  }
0xc2: {  	[tilespmem:s13+$0x1C590] =	vst v13  }
0xc3: {  	[tilespmem:s13+$0x1C5A0] =	vst v11  }
.Ltmp6:
0xc4: {  	[tilespmem:s13+$0x1C5B0] =	vst v9;
	(pc) =	sbr.rel .LBB2_5-.Ltmp6, $4  }
0xc5: {  	[tilespmem:s13+$0x1C5C0] =	vst v7  }
0xc6: {  	[tilespmem:s13+$0x1C5D0] =	vst v5  }
0xc7: {  	[tilespmem:s13+$0x1C5E0] =	vst v2  }
0xc8: {  	s12 =	sadd.s32 $0x400, s12;
	[tilespmem:s13+$0x1C5F0] =	vst v1  }
.LBB2_7:
0xc9: {  	[tilespmem:$0x1D400] =	vst v26  }
0xca: {  	[tilespmem:$0x1D410] =	vst v24  }
0xcb: {  	[tilespmem:$0x1D420] =	vst v22  }
0xcc: {  	[tilespmem:$0x1D430] =	vst v21  }
0xcd: {  	[tilespmem:$0x1D440] =	vst v20  }
0xce: {  	[tilespmem:$0x1D450] =	vst v19  }
0xcf: {  	[tilespmem:$0x1D460] =	vst v18  }
0xd0: {  	[tilespmem:$0x1D470] =	vst v17  }
0xd1: {  	[tilespmem:$0x1D480] =	vst v15  }
0xd2: {  	[tilespmem:$0x1D490] =	vst v13  }
0xd3: {  	[tilespmem:$0x1D4A0] =	vst v11  }
0xd4: {  	[tilespmem:$0x1D4B0] =	vst v9;
	p1 =	seq.s32 s16, $0x0  }
.Ltmp7:
0xd5: {  	[tilespmem:$0x1D4C0] =	vst v7;
	s12 =	sshll.u32 s10, $0x12;
	(pc) =	sbr.rel @p1 .LBB2_12-.Ltmp7, $4  }
0xd6: {  	[tilespmem:$0x1D4D0] =	vst v5;
	s12 =	sor.u32 s11, s12  }
0xd7: {  	[tilespmem:$0x1D4E0] =	vst v2;
	s12 =	sshrl.u32 s12, $0x3  }
0xd8: {  	[tilespmem:$0x1D4F0] =	vst v1;
	s12 =	sadd.s32 s3, s12  }
0xd9: {  	[hbm4b:s12+s22] =	stream.strided.scatter [tilespmem:s1], [sflag:$0x3], $0x1000, s23, s22, $0x200038;
	[tilespmem:$0x1FA80] =	vst v63  }
.LBB2_8:
0xda: {  	p1 =	seq.s32 s10, $0x13  }
0xdb: {  	s12 =	sshll.u32 @!p1 s10, $0xC  }
0xdc: {  	_ =	swait.ge [sflag:s24], $0x1000;
	s12 =	sand.u32 @!p1 $0x3FFFF000, s12  }
0xdd: {  	[sflag:s24] =	ssyncset.done $0x0;
	s13 =	simm.s32 @!p1 $0x1A500;
	s12 =	sadd.s32 @!p1 s12, s4  }
0xde: {  	p2 =	slt.u32 @!p1 s10, $0x2;
	[sflag:s24] =	ssyncadd.s32 $0xFFFFF000;
	s12 =	sadd.s32 @!p1 $0x1000, s12  }
0xdf: {  	[tilespmem:s13], [sflag:$0x2] =	stream.linear.gather @!p1 [spmem:s12], $0x1000, $0x200038;
	[tilespmem:$0x1FA80] =	vst v63  }
0xe0: {  	p1 =	por p1, !p2  }
0xe1: {  	_ =	swait.ge @p1 [sflag:s30], $0x1000  }
0xe2: {  	s16 =	sshll.u32 s10, $0x4;
	[sflag:s30] =	ssyncset.done @p1 $0x0  }
0xe3: {  	s12 =	sand.u32 $0x3FFFFFF0, s16;
	[sflag:s30] =	ssyncadd.s32 @p1 $0xFFFFF000  }
0xe4: {  	v0 =	vld [tilespmem:s12+$0x1E500]  }
0xe5: {  	v1 =	vld [tilespmem:$0x1B500]  }
0xe6: {  	v2 =	vld [tilespmem:$0x1B510]  }
0xe7: {  	v5 =	vld [tilespmem:$0x1B520]  }
0xe8: {  	v7 =	vld [tilespmem:$0x1B530]  }
0xe9: {  	v9 =	vld [tilespmem:$0x1B540]  }
0xea: {  	v11 =	vld [tilespmem:$0x1B550]  }
0xeb: {  	v13 =	vld [tilespmem:$0x1B560]  }
0xec: {  	s12 =	simm.s32 $0x0;
	v15 =	vld [tilespmem:$0x1B570]  }
0xed: {  	v3 =	vld.idx.msk [tilespmem:v1+s12+$0x0], $0xffff  }
0xee: {  	v4 =	vld.idx.msk [tilespmem:v2+s12+$0x0], $0xffff  }
0xef: {  	v6 =	vld.idx.msk [tilespmem:v5+s12+$0x0], $0xffff  }
0xf0: {  	v8 =	vld.idx.msk [tilespmem:v7+s12+$0x0], $0xffff  }
0xf1: {  	v10 =	vld.idx.msk [tilespmem:v9+s12+$0x0], $0xffff  }
0xf2: {  	v12 =	vld.idx.msk [tilespmem:v11+s12+$0x0], $0xffff  }
0xf3: {  	v14 =	vld.idx.msk [tilespmem:v13+s12+$0x0], $0xffff  }
0xf4: {  	v16 =	vld.idx.msk [tilespmem:v15+s12+$0x0], $0xffff  }
0xf5: {  	v1 =	vld [tilespmem:$0x1B580]  }
0xf6: {  	v2 =	vld [tilespmem:$0x1B590]  }
0xf7: {  	v5 =	vld [tilespmem:$0x1B5A0]  }
0xf8: {  	v7 =	vld [tilespmem:$0x1B5B0]  }
0xf9: {  	v9 =	vld [tilespmem:$0x1B5C0]  }
0xfa: {  	v11 =	vld [tilespmem:$0x1B5D0]  }
0xfb: {  	v13 =	vld [tilespmem:$0x1B5E0]  }
0xfc: {  	v15 =	vld [tilespmem:$0x1B5F0]  }
0xfd: {  	v23 =	vld.idx.msk [tilespmem:v1+s12+$0x0], $0xffff  }
0xfe: {  	v25 =	vld.idx.msk [tilespmem:v2+s12+$0x0], $0xffff  }
0xff: {  	v27 =	vld.idx.msk [tilespmem:v5+s12+$0x0], $0xffff  }
0x100: {  	v28 =	vld.idx.msk [tilespmem:v7+s12+$0x0], $0xffff  }
0x101: {  	v29 =	vld.idx.msk [tilespmem:v9+s12+$0x0], $0xffff  }
0x102: {  	v30 =	vld.idx.msk [tilespmem:v11+s12+$0x0], $0xffff  }
0x103: {  	v31 =	vld.idx.msk [tilespmem:v13+s12+$0x0], $0xffff  }
0x104: {  	v32 =	vld.idx.msk [tilespmem:v15+s12+$0x0], $0xffff  }
.LBB2_9:
0x105: {  	v9 =	vadd.f32 v28, v0;
	v11 =	vadd.f32 v27, v0  }
0x106: {  	v13 =	vadd.f32 v25, v0;
	v15 =	vadd.f32 v23, v0  }
0x107: {  	v17 =	vadd.f32 v16, v0;
	v18 =	vadd.f32 v14, v0;
	p1 =	seq.s32 s12, $0x3C00  }
.Ltmp8:
0x108: {  	v19 =	vadd.f32 v12, v0;
	v20 =	vadd.f32 v10, v0;
	(pc) =	sbr.rel @p1 .LBB2_11-.Ltmp8, $4  }
0x109: {  	v21 =	vadd.f32 v8, v0;
	v22 =	vadd.f32 v6, v0  }
0x10a: {  	v24 =	vadd.f32 v4, v0;
	v26 =	vadd.f32 v3, v0  }
0x10b: {  	v7 =	vadd.f32 v29, v0;
	v5 =	vadd.f32 v30, v0  }
0x10c: {  	v2 =	vadd.f32 v31, v0;
	v1 =	vadd.f32 v32, v0  }
0x10d: {  	s13 =	sshra.s32 s12, $0x2  }
0x10e: {  	v3 =	vld [tilespmem:s13+$0x1B600]  }
0x10f: {  	v4 =	vld [tilespmem:s13+$0x1B610]  }
0x110: {  	v6 =	vld [tilespmem:s13+$0x1B620]  }
0x111: {  	v8 =	vld [tilespmem:s13+$0x1B630]  }
0x112: {  	v10 =	vld [tilespmem:s13+$0x1B640]  }
0x113: {  	v12 =	vld [tilespmem:s13+$0x1B650]  }
0x114: {  	v14 =	vld [tilespmem:s13+$0x1B660]  }
0x115: {  	v16 =	vld [tilespmem:s13+$0x1B670]  }
0x116: {  	v23 =	vld [tilespmem:s13+$0x1B680]  }
0x117: {  	v25 =	vld [tilespmem:s13+$0x1B690]  }
0x118: {  	v27 =	vld [tilespmem:s13+$0x1B6A0]  }
0x119: {  	v28 =	vld [tilespmem:s13+$0x1B6B0]  }
0x11a: {  	v29 =	vld [tilespmem:s13+$0x1B6C0]  }
0x11b: {  	v30 =	vld [tilespmem:s13+$0x1B6D0]  }
0x11c: {  	v31 =	vld [tilespmem:s13+$0x1B6E0]  }
0x11d: {  	v32 =	vld [tilespmem:s13+$0x1B6F0]  }
0x11e: {  	v3 =	vld.idx.msk [tilespmem:v3+s6+$0x0], $0xffff  }
0x11f: {  	v4 =	vld.idx.msk [tilespmem:v4+s6+$0x0], $0xffff  }
0x120: {  	v6 =	vld.idx.msk [tilespmem:v6+s6+$0x0], $0xffff  }
0x121: {  	v8 =	vld.idx.msk [tilespmem:v8+s6+$0x0], $0xffff  }
0x122: {  	v10 =	vld.idx.msk [tilespmem:v10+s6+$0x0], $0xffff  }
0x123: {  	v12 =	vld.idx.msk [tilespmem:v12+s6+$0x0], $0xffff  }
0x124: {  	v14 =	vld.idx.msk [tilespmem:v14+s6+$0x0], $0xffff  }
0x125: {  	v16 =	vld.idx.msk [tilespmem:v16+s6+$0x0], $0xffff  }
0x126: {  	v23 =	vld.idx.msk [tilespmem:v23+s6+$0x0], $0xffff  }
0x127: {  	v25 =	vld.idx.msk [tilespmem:v25+s6+$0x0], $0xffff  }
0x128: {  	v27 =	vld.idx.msk [tilespmem:v27+s6+$0x0], $0xffff  }
0x129: {  	v28 =	vld.idx.msk [tilespmem:v28+s6+$0x0], $0xffff  }
0x12a: {  	v29 =	vld.idx.msk [tilespmem:v29+s6+$0x0], $0xffff  }
0x12b: {  	v30 =	vld.idx.msk [tilespmem:v30+s6+$0x0], $0xffff  }
0x12c: {  	v31 =	vld.idx.msk [tilespmem:v31+s6+$0x0], $0xffff  }
0x12d: {  	v32 =	vld.idx.msk [tilespmem:v32+s6+$0x0], $0xffff;
	[tilespmem:s13+$0x1D500] =	vst v26  }
0x12e: {  	[tilespmem:s13+$0x1D510] =	vst v24  }
0x12f: {  	[tilespmem:s13+$0x1D520] =	vst v22  }
0x130: {  	[tilespmem:s13+$0x1D530] =	vst v21  }
0x131: {  	[tilespmem:s13+$0x1D540] =	vst v20  }
0x132: {  	[tilespmem:s13+$0x1D550] =	vst v19  }
0x133: {  	[tilespmem:s13+$0x1D560] =	vst v18  }
0x134: {  	[tilespmem:s13+$0x1D570] =	vst v17  }
0x135: {  	[tilespmem:s13+$0x1D580] =	vst v15  }
0x136: {  	[tilespmem:s13+$0x1D590] =	vst v13  }
0x137: {  	[tilespmem:s13+$0x1D5A0] =	vst v11  }
.Ltmp9:
0x138: {  	[tilespmem:s13+$0x1D5B0] =	vst v9;
	(pc) =	sbr.rel .LBB2_9-.Ltmp9, $4  }
0x139: {  	[tilespmem:s13+$0x1D5C0] =	vst v7  }
0x13a: {  	[tilespmem:s13+$0x1D5D0] =	vst v5  }
0x13b: {  	[tilespmem:s13+$0x1D5E0] =	vst v2  }
0x13c: {  	s12 =	sadd.s32 $0x400, s12;
	[tilespmem:s13+$0x1D5F0] =	vst v1  }
.LBB2_13:
.Ltmp10:
0x13d: {  	(pc) =	sbr.rel @!p0 .LBB2_15-.Ltmp10, $2  }
0x13e: {  	_ =	sdelay $0x2  }
0x13f: {  	_ =	strace $0x9000004C  }
0x140: {  	[tilespmem:s6], [sflag:$0x1] =	stream.strided.gather [hbm4b:s14+s22], $0x18700, s23, s22, $0x38;
	[tilespmem:$0x1FA80] =	vst v63  }
0x141: {  	_ =	swait.ge [sflag:s0], $0x1000  }
.Ltmp11:
0x142: {  	[sflag:s0] =	ssyncset.done $0x0;
	(pc) =	sbr.rel .LBB2_2-.Ltmp11, $4  }
0x143: {  	[sflag:s0] =	ssyncadd.s32 $0xFFFFF000  }
0x144: {  	_ =	swait.ge [sflag:s30], $0x1000  }
0x145: {  	[sflag:s30] =	ssyncset.done $0x0  }
0x146: {  	s10 =	simm.s32 $0x10;
	p0 =	por $0x0, $0x0;
	[sflag:s30] =	ssyncadd.s32 $0xFFFFF000  }
.LBB2_16:
0x147: {  	_ =	sfence.sel $0x180000  }
0x148: {  	[bflag:$0x0] =	sbarrier.arrive $0xFFFF  }
0x149: {  	_ =	strace $0x90000047  }
0x14a: {  	s0 =	stileid.u32;
	[bflag:$0x2] =	sbarrier.arrive $0xFFFF  }
0x14b: {  	p0 =	sne.s32 s0, $0x0;
	s0 =	rddreg [dreg:$0x6]  }
0x14c: {  	s0 =	sadd.s32 @!p0 $0x100000, s0  }
0x14d: {  	[sflag:s0] =	ssyncadd.tile.s32 @!p0 $0x1;
	_ =	shalt  }
.Lfunc_end2:
_tile_overlayer_lowered:
.L_overlay_start_2:
0x14e: {  	(tag) =	ssettag $0x2  }
0x14f: {  	s0 =	rddreg [dreg:$0x0];
	s2 =	stileid.u32  }
0x150: {  	s1 =	rddreg [dreg:$0x1];
	p0 =	sne.s32 s2, $0x0  }
0x151: {  	s3 =	rddreg [dreg:$0x2];
	[bflag:$0x3] =	sbarrier.arrive $0xFFFF;
	s2 =	simm.s32 @!p0 $0x1C07  }
0x152: {  	[timem:s3], [sflag:s2] =	dma.local @!p0 [hbm:s0], s1  }
0x153: {  	s0 =	simm.s32 @!p0 $0x7  }
0x154: {  	_ =	swait.ge @!p0 [sflag:s0], s1  }
0x155: {  	s1 =	ssub.s32 @!p0 $0x0, s1;
	[sflag:s0] =	ssyncset.done @!p0 $0x0  }
0x156: {  	[sflag:s0] =	ssyncadd.s32 @!p0 s1  }
0x157: {  	[bflag:$0x3] =	sbarrier.arrive $0xFFFF  }
0x158: {  	_ =	shalt  }

</sc_bundles>
